<compile_context>
chip_gen: v7x
topology: tpu7x:2x2x1
jax: 0.10.2.dev20260603
libtpu: 0.0.44.dev20260713+nightly
codegen_flags: <defaults>
</compile_context>

<pallas_src>
import functools

import jax
import jax.numpy as jnp
import numpy as np
from jax import lax
from jax.experimental import pallas as pl
from jax.experimental.pallas import tpu as pltpu
from jax.experimental.pallas import tpu_sc as plsc

_B = 2
_L = 2048
_DM = 1024
_H = 16
_D = 64
_U = 409
_UP = 512
_TL = 512
_UA = 416
_HI = jax.lax.Precision.HIGHEST

_S_NP = np.kron(np.eye(_H, dtype=np.float32), np.ones((_D, 1), np.float32))
_E_NP = _S_NP.T.copy()


def _bf16_rne(x):
    b = jax.lax.bitcast_convert_type(x, jnp.int32)
    r = (b + ((b >> 16) & 1) + jnp.int32(0x7FFF)) & jnp.int32(-65536)
    return jax.lax.bitcast_convert_type(r, jnp.float32)


def _kv_body(keys_ref, values_ref, WkT_ref, WvT_ref, bk_ref, bv_ref, S_ref, E_ref,
             k_ref, v_ref, ksum_ref):
    lt = pl.program_id(1)
    k = jnp.dot(keys_ref[0].astype(jnp.bfloat16), WkT_ref[...],
                preferred_element_type=jnp.float32) + bk_ref[...]
    v = jnp.dot(values_ref[0].astype(jnp.bfloat16), WvT_ref[...],
                preferred_element_type=jnp.float32) + bv_ref[...]
    k_ref[0] = k
    v_ref[0] = v
    s2 = jnp.dot(k * k, S_ref[...], precision=_HI)
    nb = jnp.dot(jnp.sqrt(s2), E_ref[...], precision=_HI)
    knt = _bf16_rne(k / nb)
    part = jnp.broadcast_to(jnp.sum(knt, axis=0, keepdims=True)[None], (1, 8, _DM))

    @pl.when(lt == 0)
    def _():
        ksum_ref[...] = part

    @pl.when(lt != 0)
    def _():
        ksum_ref[...] += part


def _q_body(queries_ref, WqT_ref, bq_ref, S_ref, E_ref, ksum_ref, q_ref, ms_ref):
    q = jnp.dot(queries_ref[0].astype(jnp.bfloat16), WqT_ref[...],
                preferred_element_type=jnp.float32) + bq_ref[...]
    q_ref[0] = q
    s2 = jnp.dot(q * q, S_ref[...], precision=_HI)
    nb = jnp.dot(jnp.sqrt(s2), E_ref[...], precision=_HI)
    qnt = _bf16_rne(q / nb)
    km = ksum_ref[0, 0:1, :] * (1.0 / _L)
    ms_ref[...] = jnp.dot(qnt * km, S_ref[...], precision=_HI).T


def _attn_body(q_ref, k_ref, v_ref, idx_ref, ctx_ref):
    par = pl.program_id(0) % 2
    q128 = q_ref[0]
    k128 = k_ref[0]
    v128 = v_ref[0]
    qh = jnp.where(par == 0, q128[:, 0:_D],
                   q128[:, _D:2 * _D]).astype(jnp.bfloat16)
    kb = jnp.where(par == 0, k128[:, 0:_D],
                   k128[:, _D:2 * _D]).astype(jnp.bfloat16)
    vb = jnp.where(par == 0, v128[:, 0:_D],
                   v128[:, _D:2 * _D]).astype(jnp.bfloat16)
    iv = idx_ref[0]
    l_iota = lax.broadcasted_iota(jnp.int32, (_L, _UA), 0)
    j_iota = lax.broadcasted_iota(jnp.int32, (_L, _UA), 1)
    P = ((l_iota == iv) & (j_iota < _U)).astype(jnp.bfloat16)
    qb = jax.lax.dot_general(P, qh, (((0,), (0,)), ((), ())),
                             preferred_element_type=jnp.float32
                             ).astype(jnp.bfloat16)
    scores = jax.lax.dot_general(qb, kb, (((1,), (1,)), ((), ())),
                                 preferred_element_type=jnp.float32) / 8.0
    m = jnp.max(scores, axis=1, keepdims=True)
    e = jnp.exp(scores - m)
    attn = e / jnp.sum(e, axis=1, keepdims=True)
    ctx = jnp.dot(attn.astype(jnp.bfloat16), vb,
                  preferred_element_type=jnp.float32)
    ctx_ref[0] = jnp.dot(P, ctx.astype(jnp.bfloat16),
                         preferred_element_type=jnp.float32)


def _out_body(ctx_ref, WoT_ref, bo_ref, out_ref):
    out_ref[...] = jnp.dot(ctx_ref[...].astype(jnp.bfloat16), WoT_ref[...],
                           preferred_element_type=jnp.float32) + bo_ref[...]


def _project_kv(keys, values, WkT, WvT, bk, bv, S, E):
    nlt = _L // _TL
    return pl.pallas_call(
        _kv_body,
        grid=(_B, nlt),
        in_specs=[
            pl.BlockSpec((1, _TL, _DM), lambda b, lt: (b, lt, 0)),
            pl.BlockSpec((1, _TL, _DM), lambda b, lt: (b, lt, 0)),
            pl.BlockSpec((_DM, _DM), lambda b, lt: (0, 0)),
            pl.BlockSpec((_DM, _DM), lambda b, lt: (0, 0)),
            pl.BlockSpec((1, _DM), lambda b, lt: (0, 0)),
            pl.BlockSpec((1, _DM), lambda b, lt: (0, 0)),
            pl.BlockSpec((_DM, _H), lambda b, lt: (0, 0)),
            pl.BlockSpec((_H, _DM), lambda b, lt: (0, 0)),
        ],
        out_specs=[
            pl.BlockSpec((1, _TL, _DM), lambda b, lt: (b, lt, 0)),
            pl.BlockSpec((1, _TL, _DM), lambda b, lt: (b, lt, 0)),
            pl.BlockSpec((1, 8, _DM), lambda b, lt: (b, 0, 0)),
        ],
        out_shape=[
            jax.ShapeDtypeStruct((_B, _L, _DM), jnp.float32),
            jax.ShapeDtypeStruct((_B, _L, _DM), jnp.float32),
            jax.ShapeDtypeStruct((_B, 8, _DM), jnp.float32),
        ],
    )(keys, values, WkT, WvT, bk, bv, S, E)


def _project_q(queries, WqT, bq, S, E, ksum):
    nlt = _L // _TL
    return pl.pallas_call(
        _q_body,
        grid=(_B, nlt),
        in_specs=[
            pl.BlockSpec((1, _TL, _DM), lambda b, lt: (b, lt, 0)),
            pl.BlockSpec((_DM, _DM), lambda b, lt: (0, 0)),
            pl.BlockSpec((1, _DM), lambda b, lt: (0, 0)),
            pl.BlockSpec((_DM, _H), lambda b, lt: (0, 0)),
            pl.BlockSpec((_H, _DM), lambda b, lt: (0, 0)),
            pl.BlockSpec((1, 8, _DM), lambda b, lt: (b, 0, 0)),
        ],
        out_specs=[
            pl.BlockSpec((1, _TL, _DM), lambda b, lt: (b, lt, 0)),
            pl.BlockSpec((_H, _TL), lambda b, lt: (b, lt)),
        ],
        out_shape=[
            jax.ShapeDtypeStruct((_B, _L, _DM), jnp.float32),
            jax.ShapeDtypeStruct((_B * _H, _L), jnp.float32),
        ],
    )(queries, WqT, bq, S, E, ksum)


def _attention(q, k, v, idx):
    return pl.pallas_call(
        _attn_body,
        grid=(_B * _H,),
        in_specs=[
            pl.BlockSpec((1, _L, 2 * _D), lambda g: (g // _H, 0, (g % _H) // 2)),
            pl.BlockSpec((1, _L, 2 * _D), lambda g: (g // _H, 0, (g % _H) // 2)),
            pl.BlockSpec((1, _L, 2 * _D), lambda g: (g // _H, 0, (g % _H) // 2)),
            pl.BlockSpec((1, 1, _UA), lambda g: (g, 0, 0)),
        ],
        out_specs=pl.BlockSpec((1, _L, _D), lambda g: (g, 0, 0)),
        out_shape=jax.ShapeDtypeStruct((_B * _H, _L, _D), jnp.float32),
    )(q, k, v, idx[:, :_UA].reshape(_B * _H, 1, _UA))


def _out_proj(ctx, WoT, bo):
    nrt = (_B * _L) // _TL
    return pl.pallas_call(
        _out_body,
        grid=(nrt,),
        in_specs=[
            pl.BlockSpec((_TL, _DM), lambda r: (r, 0)),
            pl.BlockSpec((_DM, _DM), lambda r: (0, 0)),
            pl.BlockSpec((1, _DM), lambda r: (0, 0)),
        ],
        out_specs=pl.BlockSpec((_TL, _DM), lambda r: (r, 0)),
        out_shape=jax.ShapeDtypeStruct((_B * _L, _DM), jnp.float32),
    )(ctx, WoT, bo)


def _topk_body(ms2_hbm, idx_hbm, ms_v, keys_v, idxsel_v):
    wid = lax.axis_index("s") * 2 + lax.axis_index("c")
    pltpu.sync_copy(ms2_hbm.at[wid], ms_v)

    iota = jnp.arange(16, dtype=jnp.int32)
    u_vec = jnp.full((16,), _U, jnp.int32)

    @plsc.parallel_loop(0, 128, unroll=8)
    def _keyize(j):
        bi = ms_v[pl.ds(j * 16, 16)]
        keys_v[pl.ds(j * 16, 16)] = jnp.where(
            bi < 0, bi ^ jnp.int32(0x7FFFFFFF), bi)

    one = jnp.ones((16,), jnp.int32)
    nul = jnp.zeros((16,), jnp.int32)

    def count_ge(cand):
        def cnt_step(j, c):
            kv = keys_v[pl.ds(j * 16, 16)]
            return c + jnp.where(kv >= cand, one, nul)

        cvec = plsc.parallel_loop(0, 128, unroll=8, carry=nul)(cnt_step)
        return jnp.sum(cvec)

    nneg = count_ge(nul)
    T0 = jnp.where(nneg >= _U, nul, jnp.full((16,), -2147483648, jnp.int32))

    def bit_step(t, T):
        cand = T | jnp.left_shift(jnp.full((16,), 1, jnp.int32),
                                  jnp.full((16,), 30 - t, jnp.int32))
        cnt = count_ge(cand)
        return jnp.where(cnt >= _U, cand, T)

    T = lax.fori_loop(0, 31, bit_step, T0)

    @plsc.parallel_loop(0, 33, unroll=4)
    def _clear(j):
        idxsel_v[pl.ds(j * 16, 16)] = jnp.zeros((16,), jnp.int32)

    def gt_step(j, off):
        kv = keys_v[pl.ds(j * 16, 16)]
        m = kv > T
        plsc.store_compressed(idxsel_v.at[pl.ds(off, 16)], j * 16 + iota, mask=m)
        return off + jnp.sum(jnp.where(m, one, nul))

    off = lax.fori_loop(0, 128, gt_step, 0)

    def eq_step(j, off):
        kv = keys_v[pl.ds(j * 16, 16)]
        m = kv == T
        pref = plsc.cumsum(jnp.where(m, one, nul))
        keep = m & (pref <= (_U - off))
        plsc.store_compressed(idxsel_v.at[pl.ds(off, 16)], j * 16 + iota, mask=keep)
        return off + jnp.sum(jnp.where(keep, one, nul))

    lax.fori_loop(0, 128, eq_step, off)

    pltpu.sync_copy(idxsel_v.at[pl.ds(0, _UP)], idx_hbm.at[wid])


def _topk(ms2):
    kern = functools.partial(
        pl.kernel,
        mesh=plsc.VectorSubcoreMesh(core_axis_name="c", subcore_axis_name="s"),
        compiler_params=pltpu.CompilerParams(needs_layout_passes=False),
        out_type=jax.ShapeDtypeStruct((_B * _H, _UP), jnp.int32),
        scratch_types=[
            pltpu.VMEM((_L,), jnp.int32),
            pltpu.VMEM((_L,), jnp.int32),
            pltpu.VMEM((_UP + 16,), jnp.int32),
        ],
    )
    ms2i = jax.lax.bitcast_convert_type(ms2, jnp.int32)
    return kern(_topk_body)(ms2i)


def kernel(queries, keys, values, Wq, bq, Wk, bk, Wv, bv, Wo, bo):
    WqT = Wq.T.astype(jnp.bfloat16)
    WkT = Wk.T.astype(jnp.bfloat16)
    WvT = Wv.T.astype(jnp.bfloat16)
    WoT = Wo.T.astype(jnp.bfloat16)
    S = jnp.asarray(_S_NP)
    E = jnp.asarray(_E_NP)
    bk2 = bk.reshape(1, _DM)
    bv2 = bv.reshape(1, _DM)
    bq2 = bq.reshape(1, _DM)
    bo2 = bo.reshape(1, _DM)

    k, v, ksum = _project_kv(keys, values, WkT, WvT, bk2, bv2, S, E)
    q, ms2 = _project_q(queries, WqT, bq2, S, E, ksum)

    idx = _topk(ms2)
    ctx_full = _attention(q, k, v, idx)
    ctx = jnp.transpose(ctx_full.reshape(_B, _H, _L, _D),
                        (0, 2, 1, 3)).reshape(_B * _L, _DM)
    out = _out_proj(ctx, WoT, bo2)
    return out.reshape(_B, _L, _DM)

# --- scband reference (transcript-rebuilt; emitter-appended) ---
"""Pipeline reference for scband-prob-sparse-self-attention-90374701842687 (READ-ONLY COPY).

The authoritative reference and input builder live on the scoring server;
editing this copy changes nothing except your own understanding.
"""

import jax, jax.numpy as jnp
import numpy as np
import math

B = 2
L = 2048
D_MODEL = 1024
N_HEADS = 16
HEAD_DIM = D_MODEL // N_HEADS
TOP_FACTOR = 5


def setup_inputs(seed: int = 0) -> dict:
    key = jax.random.key(seed)
    ks = jax.random.split(key, 11)
    s = 1.0 / math.sqrt(D_MODEL)
    return {
        'queries': jax.random.normal(ks[0], (B, L, D_MODEL), dtype=jnp.float32),
        'keys': jax.random.normal(ks[1], (B, L, D_MODEL), dtype=jnp.float32),
        'values': jax.random.normal(ks[2], (B, L, D_MODEL), dtype=jnp.float32),
        'Wq': jax.random.normal(ks[3], (D_MODEL, D_MODEL), dtype=jnp.float32) * s,
        'bq': jnp.zeros((D_MODEL,), dtype=jnp.float32),
        'Wk': jax.random.normal(ks[4], (D_MODEL, D_MODEL), dtype=jnp.float32) * s,
        'bk': jnp.zeros((D_MODEL,), dtype=jnp.float32),
        'Wv': jax.random.normal(ks[5], (D_MODEL, D_MODEL), dtype=jnp.float32) * s,
        'bv': jnp.zeros((D_MODEL,), dtype=jnp.float32),
        'Wo': jax.random.normal(ks[6], (D_MODEL, D_MODEL), dtype=jnp.float32) * s,
        'bo': jnp.zeros((D_MODEL,), dtype=jnp.float32),
    }


def reference(queries, keys, values, Wq, bq, Wk, bk, Wv, bv, Wo, bo):
    Bsz, L_q, _ = queries.shape
    _, L_k, _ = keys.shape
    H, D = N_HEADS, HEAD_DIM
    q = (queries @ Wq.T + bq).reshape(Bsz, L_q, H, D).transpose(0, 2, 1, 3)
    k = (keys @ Wk.T + bk).reshape(Bsz, L_k, H, D).transpose(0, 2, 1, 3)
    v = (values @ Wv.T + bv).reshape(Bsz, L_k, H, D).transpose(0, 2, 1, 3)
    q_norm = q / jnp.linalg.norm(q, axis=-1, keepdims=True)
    k_norm = k / jnp.linalg.norm(k, axis=-1, keepdims=True)
    scores_all = jnp.matmul(q_norm, k_norm.transpose(0, 1, 3, 2))
    mean_scores = scores_all.mean(axis=-1)  # (B, H, L_q)
    u = max(1, L_q // TOP_FACTOR)
    _, top_indices = jax.lax.top_k(mean_scores, u)  # (B, H, u)
    q_selected = jnp.take_along_axis(q, top_indices[..., None], axis=2)  # (B, H, u, D)
    scores = jnp.matmul(q_selected, k.transpose(0, 1, 3, 2)) / math.sqrt(D)
    attn = jax.nn.softmax(scores, axis=-1)
    context_selected = jnp.matmul(attn, v)  # (B, H, u, D)
    b_idx = jnp.arange(Bsz)[:, None, None]
    h_idx = jnp.arange(H)[None, :, None]
    context = jnp.zeros((Bsz, H, L_q, D), dtype=queries.dtype)
    context = context.at[b_idx, h_idx, top_indices].set(context_selected)
    out = context.transpose(0, 2, 1, 3).reshape(Bsz, L_q, H * D)
    return out @ Wo.T + bo

if __name__ == "__main__":
    import jax
    _d = setup_inputs()
    print(jax.jit(kernel)(*tuple(_d.values())))

</pallas_src>

<mosaic_0001>
#map = affine_map<(d0, d1) -> (0, 0)>
module attributes {stable_mosaic.version = 14 : i64} {
  func.func @_topk_body(%arg0: i32, %arg1: i32, %arg2: memref<32x2048xi32, #tpu.memory_space<hbm>>, %arg3: memref<32x512xi32, #tpu.memory_space<hbm>>, %arg4: memref<2048xi32, #tpu.memory_space<vmem>>, %arg5: memref<2048xi32, #tpu.memory_space<vmem>>, %arg6: memref<528xi32, #tpu.memory_space<vmem>>) attributes {dimension_semantics = [#tpu.dimension_semantics<core_parallel>, #tpu.dimension_semantics<subcore_parallel>], iteration_bounds = array<i64: 2, 16>, scalar_prefetch = 0 : i64, scratch_operands = 3 : i64, tpu.core_type = #tpu.core_type<sc_vector_subcore>, window_params = [{transform_indices = #map}, {transform_indices = #map}]} {
    %mul3A = arith.constant 2 : i32
    %mul3A_0 = arith.muli %arg1, %mul3A : i32
    %add3A = arith.addi %mul3A_0, %arg0 : i32
    "tpu.region"() ({
      %run_scoped3A = tpu.sem_alloc : memref<!tpu.dma_semaphore, #tpu.memory_space<semaphore_mem>>
      %dma_start3A = arith.constant 0 : i32
      %dma_start3A_39 = tpu.memref_slice %arg2[%add3A, %dma_start3A] : memref<32x2048xi32, #tpu.memory_space<hbm>> -> memref<1x2048xi32, #tpu.memory_space<hbm>>
      %dma_start3A_40 = tpu.memref_squeeze %dma_start3A_39 : memref<1x2048xi32, #tpu.memory_space<hbm>> -> memref<2048xi32, #tpu.memory_space<hbm>>
      %dma_start3A_41 = arith.constant 0 : i32
      %dma_start3A_42 = tpu.memref_slice %arg2[%add3A, %dma_start3A_41] : memref<32x2048xi32, #tpu.memory_space<hbm>> -> memref<1x2048xi32, #tpu.memory_space<hbm>>
      %dma_start3A_43 = tpu.memref_squeeze %dma_start3A_42 : memref<1x2048xi32, #tpu.memory_space<hbm>> -> memref<2048xi32, #tpu.memory_space<hbm>>
      tpu.enqueue_dma source(%dma_start3A_43 : memref<2048xi32, #tpu.memory_space<hbm>>) target(%arg4 : memref<2048xi32, #tpu.memory_space<vmem>>) target_semaphore(%run_scoped3A : memref<!tpu.dma_semaphore, #tpu.memory_space<semaphore_mem>>)
      %dma_wait3A = arith.constant 0 : i32
      %dma_wait3A_44 = tpu.memref_slice %arg2[%add3A, %dma_wait3A] : memref<32x2048xi32, #tpu.memory_space<hbm>> -> memref<1x2048xi32, #tpu.memory_space<hbm>>
      %dma_wait3A_45 = tpu.memref_squeeze %dma_wait3A_44 : memref<1x2048xi32, #tpu.memory_space<hbm>> -> memref<2048xi32, #tpu.memory_space<hbm>>
      %dma_wait3A_46 = arith.constant 0 : i32
      %dma_wait3A_47 = tpu.memref_slice %arg2[%add3A, %dma_wait3A_46] : memref<32x2048xi32, #tpu.memory_space<hbm>> -> memref<1x2048xi32, #tpu.memory_space<hbm>>
      %dma_wait3A_48 = tpu.memref_squeeze %dma_wait3A_47 : memref<1x2048xi32, #tpu.memory_space<hbm>> -> memref<2048xi32, #tpu.memory_space<hbm>>
      tpu.wait_dma2 semaphore(%run_scoped3A : memref<!tpu.dma_semaphore, #tpu.memory_space<semaphore_mem>>) src(%dma_wait3A_48 : memref<2048xi32, #tpu.memory_space<hbm>>) dst(%arg4 : memref<2048xi32, #tpu.memory_space<vmem>>)
      tpu.yield
    }) : () -> ()
    %iota3A = tpu.iota {dimensions = array<i32: 0>} : vector<16xi32>
    %broadcast_in_dim3A = arith.constant 409 : i32
    %broadcast_in_dim3A_1 = vector.broadcast %broadcast_in_dim3A : i32 to vector<16xi32>
    %parallel_loop3A = arith.constant 0 : i32
    %parallel_loop3A_2 = arith.constant 128 : i32
    %parallel_loop3A_3 = arith.constant 1 : i32
    scf.for %parallel_loop3A_39 = %parallel_loop3A to %parallel_loop3A_2 step %parallel_loop3A_3  : i32 {
      %parallel_loop3A_40 = arith.constant 16 : i32
      %parallel_loop3A_41 = arith.muli %parallel_loop3A_39, %parallel_loop3A_40 : i32
      %parallel_loop3A_42 = arith.index_cast %parallel_loop3A_41 : i32 to index
      %parallel_loop3A_43 = tpu.vector_load %arg4[%parallel_loop3A_42] {strides = array<i32>} : memref<2048xi32, #tpu.memory_space<vmem>>, vector<16xi32>,
      %parallel_loop3A_44 = arith.constant 0 : i32
      %parallel_loop3A_45 = vector.broadcast %parallel_loop3A_44 : i32 to vector<16xi32>
      %parallel_loop3A_46 = arith.cmpi slt, %parallel_loop3A_43, %parallel_loop3A_45 : vector<16xi32>
      %parallel_loop3A_47 = arith.constant 2147483647 : i32
      %parallel_loop3A_48 = vector.broadcast %parallel_loop3A_47 : i32 to vector<16xi32>
      %parallel_loop3A_49 = arith.xori %parallel_loop3A_43, %parallel_loop3A_48 : vector<16xi32>
      %parallel_loop3A_50 = arith.select %parallel_loop3A_46, %parallel_loop3A_49, %parallel_loop3A_43 : vector<16xi1>, vector<16xi32>
      %parallel_loop3A_51 = arith.constant 16 : i32
      %parallel_loop3A_52 = arith.muli %parallel_loop3A_39, %parallel_loop3A_51 : i32
      %parallel_loop3A_53 = arith.index_cast %parallel_loop3A_52 : i32 to index
      %parallel_loop3A_54 = tpu.vector_load %arg5[%parallel_loop3A_53] {strides = array<i32>} : memref<2048xi32, #tpu.memory_space<vmem>>, vector<16xi32>,
      tpu.vector_store %arg5[%parallel_loop3A_53], %parallel_loop3A_50 {strides = array<i32>} : memref<2048xi32, #tpu.memory_space<vmem>>, vector<16xi32>,
    } {sc.loop_unroll_factor = 8 : i64, sc.parallel_access}
    %broadcast_in_dim3A_4 = arith.constant 1 : i32
    %broadcast_in_dim3A_5 = vector.broadcast %broadcast_in_dim3A_4 : i32 to vector<16xi32>
    %broadcast_in_dim3A_6 = arith.constant 0 : i32
    %broadcast_in_dim3A_7 = vector.broadcast %broadcast_in_dim3A_6 : i32 to vector<16xi32>
    %parallel_loop3A_8 = arith.constant 0 : i32
    %parallel_loop3A_9 = arith.constant 128 : i32
    %parallel_loop3A_10 = arith.constant 1 : i32
    %parallel_loop3A_11 = scf.for %parallel_loop3A_39 = %parallel_loop3A_8 to %parallel_loop3A_9 step %parallel_loop3A_10 iter_args(%parallel_loop3A_40 = %broadcast_in_dim3A_7) -> (vector<16xi32>)  : i32 {
      %parallel_loop3A_41 = arith.constant 16 : i32
      %parallel_loop3A_42 = arith.muli %parallel_loop3A_39, %parallel_loop3A_41 : i32
      %parallel_loop3A_43 = arith.index_cast %parallel_loop3A_42 : i32 to index
      %parallel_loop3A_44 = tpu.vector_load %arg5[%parallel_loop3A_43] {strides = array<i32>} : memref<2048xi32, #tpu.memory_space<vmem>>, vector<16xi32>,
      %parallel_loop3A_45 = arith.cmpi sge, %parallel_loop3A_44, %broadcast_in_dim3A_7 : vector<16xi32>
      %parallel_loop3A_46 = arith.select %parallel_loop3A_45, %broadcast_in_dim3A_5, %broadcast_in_dim3A_7 : vector<16xi1>, vector<16xi32>
      %parallel_loop3A_47 = arith.addi %parallel_loop3A_40, %parallel_loop3A_46 : vector<16xi32>
      scf.yield %parallel_loop3A_47 : vector<16xi32>
    } {sc.loop_unroll_factor = 8 : i64, sc.parallel_access}
    %reduce_sum3A = arith.constant true
    %reduce_sum3A_12 = vector.broadcast %reduce_sum3A : i1 to vector<16xi1>
    %reduce_sum3A_13 = tpu.scan <sum>, %parallel_loop3A_11 masked %reduce_sum3A_12 : vector<16xi32>, vector<16xi1> -> vector<16xi32>
    %reduce_sum3A_14 = vector.extract %reduce_sum3A_13[15] : i32 from vector<16xi32>
    %ge3A = arith.constant 409 : i32
    %ge3A_15 = arith.cmpi sge, %reduce_sum3A_14, %ge3A : i32
    %broadcast_in_dim3A_16 = arith.constant -2147483648 : i32
    %broadcast_in_dim3A_17 = vector.broadcast %broadcast_in_dim3A_16 : i32 to vector<16xi32>
    %select_n3A = arith.select %ge3A_15, %broadcast_in_dim3A_7, %broadcast_in_dim3A_17 : vector<16xi32>
    %scan3A = arith.constant 0 : i32
    %scan3A_18 = arith.constant 31 : i32
    %scan3A_19 = arith.addi %scan3A, %scan3A_18 : i32
    %scan3A_20 = arith.constant 1 : i32
    %scan3A_21 = scf.for %scan3A_39 = %scan3A to %scan3A_19 step %scan3A_20 iter_args(%scan3A_40 = %select_n3A) -> (vector<16xi32>)  : i32 {
      %broadcast_in_dim3A_41 = arith.constant 1 : i32
      %broadcast_in_dim3A_42 = vector.broadcast %broadcast_in_dim3A_41 : i32 to vector<16xi32>
      %sub3A = arith.constant 30 : i32
      %sub3A_43 = arith.subi %sub3A, %scan3A_39 : i32
      %broadcast_in_dim3A_44 = vector.broadcast %sub3A_43 : i32 to vector<16xi32>
      %shift_left3A = arith.shli %broadcast_in_dim3A_42, %broadcast_in_dim3A_44 : vector<16xi32>
      %or3A = arith.ori %scan3A_40, %shift_left3A : vector<16xi32>
      %parallel_loop3A_45 = arith.constant 0 : i32
      %parallel_loop3A_46 = arith.constant 128 : i32
      %parallel_loop3A_47 = arith.constant 1 : i32
      %parallel_loop3A_48 = scf.for %parallel_loop3A_56 = %parallel_loop3A_45 to %parallel_loop3A_46 step %parallel_loop3A_47 iter_args(%parallel_loop3A_57 = %broadcast_in_dim3A_7) -> (vector<16xi32>)  : i32 {
        %parallel_loop3A_58 = arith.constant 16 : i32
        %parallel_loop3A_59 = arith.muli %parallel_loop3A_56, %parallel_loop3A_58 : i32
        %parallel_loop3A_60 = arith.index_cast %parallel_loop3A_59 : i32 to index
        %parallel_loop3A_61 = tpu.vector_load %arg5[%parallel_loop3A_60] {strides = array<i32>} : memref<2048xi32, #tpu.memory_space<vmem>>, vector<16xi32>,
        %parallel_loop3A_62 = arith.cmpi sge, %parallel_loop3A_61, %or3A : vector<16xi32>
        %parallel_loop3A_63 = arith.select %parallel_loop3A_62, %broadcast_in_dim3A_5, %broadcast_in_dim3A_7 : vector<16xi1>, vector<16xi32>
        %parallel_loop3A_64 = arith.addi %parallel_loop3A_57, %parallel_loop3A_63 : vector<16xi32>
        scf.yield %parallel_loop3A_64 : vector<16xi32>
      } {sc.loop_unroll_factor = 8 : i64, sc.parallel_access}
      %reduce_sum3A_49 = arith.constant true
      %reduce_sum3A_50 = vector.broadcast %reduce_sum3A_49 : i1 to vector<16xi1>
      %reduce_sum3A_51 = tpu.scan <sum>, %parallel_loop3A_48 masked %reduce_sum3A_50 : vector<16xi32>, vector<16xi1> -> vector<16xi32>
      %reduce_sum3A_52 = vector.extract %reduce_sum3A_51[15] : i32 from vector<16xi32>
      %ge3A_53 = arith.constant 409 : i32
      %ge3A_54 = arith.cmpi sge, %reduce_sum3A_52, %ge3A_53 : i32
      %select_n3A_55 = arith.select %ge3A_54, %or3A, %scan3A_40 : vector<16xi32>
      scf.yield %select_n3A_55 : vector<16xi32>
    }
    %scan3A_22 = arith.constant 31 : i32
    %parallel_loop3A_23 = arith.constant 0 : i32
    %parallel_loop3A_24 = arith.constant 33 : i32
    %parallel_loop3A_25 = arith.constant 1 : i32
    scf.for %parallel_loop3A_39 = %parallel_loop3A_23 to %parallel_loop3A_24 step %parallel_loop3A_25  : i32 {
      %parallel_loop3A_40 = arith.constant 0 : i32
      %parallel_loop3A_41 = vector.broadcast %parallel_loop3A_40 : i32 to vector<16xi32>
      %parallel_loop3A_42 = arith.constant 16 : i32
      %parallel_loop3A_43 = arith.muli %parallel_loop3A_39, %parallel_loop3A_42 : i32
      %parallel_loop3A_44 = arith.index_cast %parallel_loop3A_43 : i32 to index
      %parallel_loop3A_45 = tpu.vector_load %arg6[%parallel_loop3A_44] {strides = array<i32>} : memref<528xi32, #tpu.memory_space<vmem>>, vector<16xi32>,
      tpu.vector_store %arg6[%parallel_loop3A_44], %parallel_loop3A_41 {strides = array<i32>} : memref<528xi32, #tpu.memory_space<vmem>>, vector<16xi32>,
    } {sc.loop_unroll_factor = 4 : i64, sc.parallel_access}
    %scan3A_26 = arith.constant 0 : i32
    %scan3A_27 = arith.constant 0 : i32
    %scan3A_28 = arith.constant 128 : i32
    %scan3A_29 = arith.addi %scan3A_27, %scan3A_28 : i32
    %scan3A_30 = arith.constant 1 : i32
    %scan3A_31 = scf.for %scan3A_39 = %scan3A_27 to %scan3A_29 step %scan3A_30 iter_args(%scan3A_40 = %scan3A_26) -> (i32)  : i32 {
      %mul3A_41 = arith.constant 16 : i32
      %mul3A_42 = arith.muli %scan3A_39, %mul3A_41 : i32
      %get3A = arith.index_cast %mul3A_42 : i32 to index
      %get3A_43 = tpu.vector_load %arg5[%get3A] {strides = array<i32>} : memref<2048xi32, #tpu.memory_space<vmem>>, vector<16xi32>,
      %gt3A = arith.cmpi sgt, %get3A_43, %scan3A_21 : vector<16xi32>
      %mul3A_44 = arith.constant 16 : i32
      %mul3A_45 = arith.muli %scan3A_39, %mul3A_44 : i32
      %add3A_46 = vector.broadcast %mul3A_45 : i32 to vector<16xi32>
      %add3A_47 = arith.addi %add3A_46, %iota3A : vector<16xi32>
      %swap3A = arith.index_cast %scan3A_40 : i32 to index
      %swap3A_48 = tpu.vector_load %arg6[%swap3A] masked %gt3A {strides = array<i32>} : memref<528xi32, #tpu.memory_space<vmem>>, vector<16xi32>, vector<16xi1>
      tpu.vector_store %arg6[%swap3A], %add3A_47 masked %gt3A {strides = array<i32>} : memref<528xi32, #tpu.memory_space<vmem>>, vector<16xi32>, vector<16xi1>
      %select_n3A_49 = arith.select %gt3A, %broadcast_in_dim3A_5, %broadcast_in_dim3A_7 : vector<16xi1>, vector<16xi32>
      %reduce_sum3A_50 = arith.constant true
      %reduce_sum3A_51 = vector.broadcast %reduce_sum3A_50 : i1 to vector<16xi1>
      %reduce_sum3A_52 = tpu.scan <sum>, %select_n3A_49 masked %reduce_sum3A_51 : vector<16xi32>, vector<16xi1> -> vector<16xi32>
      %reduce_sum3A_53 = vector.extract %reduce_sum3A_52[15] : i32 from vector<16xi32>
      %add3A_54 = arith.addi %scan3A_40, %reduce_sum3A_53 : i32
      scf.yield %add3A_54 : i32
    }
    %scan3A_32 = arith.constant 128 : i32
    %scan3A_33 = arith.constant 0 : i32
    %scan3A_34 = arith.constant 128 : i32
    %scan3A_35 = arith.addi %scan3A_33, %scan3A_34 : i32
    %scan3A_36 = arith.constant 1 : i32
    %scan3A_37 = scf.for %scan3A_39 = %scan3A_33 to %scan3A_35 step %scan3A_36 iter_args(%scan3A_40 = %scan3A_31) -> (i32)  : i32 {
      %mul3A_41 = arith.constant 16 : i32
      %mul3A_42 = arith.muli %scan3A_39, %mul3A_41 : i32
      %get3A = arith.index_cast %mul3A_42 : i32 to index
      %get3A_43 = tpu.vector_load %arg5[%get3A] {strides = array<i32>} : memref<2048xi32, #tpu.memory_space<vmem>>, vector<16xi32>,
      %eq3A = arith.cmpi eq, %get3A_43, %scan3A_21 : vector<16xi32>
      %select_n3A_44 = arith.select %eq3A, %broadcast_in_dim3A_5, %broadcast_in_dim3A_7 : vector<16xi1>, vector<16xi32>
      %broadcast_in_dim3A_45 = arith.constant true
      %broadcast_in_dim3A_46 = vector.broadcast %broadcast_in_dim3A_45 : i1 to vector<16xi1>
      %masked_cumsum3A = tpu.scan <sum>, %select_n3A_44 masked %broadcast_in_dim3A_46 : vector<16xi32>, vector<16xi1> -> vector<16xi32>
      %sub3A = arith.constant 409 : i32
      %sub3A_47 = arith.subi %sub3A, %scan3A_40 : i32
      %le3A = vector.broadcast %sub3A_47 : i32 to vector<16xi32>
      %le3A_48 = arith.cmpi sle, %masked_cumsum3A, %le3A : vector<16xi32>
      %and3A = arith.andi %eq3A, %le3A_48 : vector<16xi1>
      %mul3A_49 = arith.constant 16 : i32
      %mul3A_50 = arith.muli %scan3A_39, %mul3A_49 : i32
      %add3A_51 = vector.broadcast %mul3A_50 : i32 to vector<16xi32>
      %add3A_52 = arith.addi %add3A_51, %iota3A : vector<16xi32>
      %swap3A = arith.index_cast %scan3A_40 : i32 to index
      %swap3A_53 = tpu.vector_load %arg6[%swap3A] masked %and3A {strides = array<i32>} : memref<528xi32, #tpu.memory_space<vmem>>, vector<16xi32>, vector<16xi1>
      tpu.vector_store %arg6[%swap3A], %add3A_52 masked %and3A {strides = array<i32>} : memref<528xi32, #tpu.memory_space<vmem>>, vector<16xi32>, vector<16xi1>
      %select_n3A_54 = arith.select %and3A, %broadcast_in_dim3A_5, %broadcast_in_dim3A_7 : vector<16xi1>, vector<16xi32>
      %reduce_sum3A_55 = arith.constant true
      %reduce_sum3A_56 = vector.broadcast %reduce_sum3A_55 : i1 to vector<16xi1>
      %reduce_sum3A_57 = tpu.scan <sum>, %select_n3A_54 masked %reduce_sum3A_56 : vector<16xi32>, vector<16xi1> -> vector<16xi32>
      %reduce_sum3A_58 = vector.extract %reduce_sum3A_57[15] : i32 from vector<16xi32>
      %add3A_59 = arith.addi %scan3A_40, %reduce_sum3A_58 : i32
      scf.yield %add3A_59 : i32
    }
    %scan3A_38 = arith.constant 128 : i32
    "tpu.region"() ({
      %run_scoped3A = tpu.sem_alloc : memref<!tpu.dma_semaphore, #tpu.memory_space<semaphore_mem>>
      %dma_start3A = arith.constant 0 : i32
      %dma_start3A_39 = tpu.memref_slice %arg6[%dma_start3A] : memref<528xi32, #tpu.memory_space<vmem>> -> memref<512xi32, #tpu.memory_space<vmem>>
      %dma_start3A_40 = arith.constant 0 : i32
      %dma_start3A_41 = tpu.memref_slice %arg3[%add3A, %dma_start3A_40] : memref<32x512xi32, #tpu.memory_space<hbm>> -> memref<1x512xi32, #tpu.memory_space<hbm>>
      %dma_start3A_42 = tpu.memref_squeeze %dma_start3A_41 : memref<1x512xi32, #tpu.memory_space<hbm>> -> memref<512xi32, #tpu.memory_space<hbm>>
      %dma_start3A_43 = arith.constant 0 : i32
      %dma_start3A_44 = tpu.memref_slice %arg3[%add3A, %dma_start3A_43] : memref<32x512xi32, #tpu.memory_space<hbm>> -> memref<1x512xi32, #tpu.memory_space<hbm>>
      %dma_start3A_45 = tpu.memref_squeeze %dma_start3A_44 : memref<1x512xi32, #tpu.memory_space<hbm>> -> memref<512xi32, #tpu.memory_space<hbm>>
      %dma_start3A_46 = arith.constant 0 : i32
      %dma_start3A_47 = tpu.memref_slice %arg6[%dma_start3A_46] : memref<528xi32, #tpu.memory_space<vmem>> -> memref<512xi32, #tpu.memory_space<vmem>>
      tpu.enqueue_dma source(%dma_start3A_47 : memref<512xi32, #tpu.memory_space<vmem>>) target(%dma_start3A_45 : memref<512xi32, #tpu.memory_space<hbm>>) target_semaphore(%run_scoped3A : memref<!tpu.dma_semaphore, #tpu.memory_space<semaphore_mem>>)
      %dma_wait3A = arith.constant 0 : i32
      %dma_wait3A_48 = tpu.memref_slice %arg6[%dma_wait3A] : memref<528xi32, #tpu.memory_space<vmem>> -> memref<512xi32, #tpu.memory_space<vmem>>
      %dma_wait3A_49 = arith.constant 0 : i32
      %dma_wait3A_50 = tpu.memref_slice %arg3[%add3A, %dma_wait3A_49] : memref<32x512xi32, #tpu.memory_space<hbm>> -> memref<1x512xi32, #tpu.memory_space<hbm>>
      %dma_wait3A_51 = tpu.memref_squeeze %dma_wait3A_50 : memref<1x512xi32, #tpu.memory_space<hbm>> -> memref<512xi32, #tpu.memory_space<hbm>>
      %dma_wait3A_52 = arith.constant 0 : i32
      %dma_wait3A_53 = tpu.memref_slice %arg3[%add3A, %dma_wait3A_52] : memref<32x512xi32, #tpu.memory_space<hbm>> -> memref<1x512xi32, #tpu.memory_space<hbm>>
      %dma_wait3A_54 = tpu.memref_squeeze %dma_wait3A_53 : memref<1x512xi32, #tpu.memory_space<hbm>> -> memref<512xi32, #tpu.memory_space<hbm>>
      %dma_wait3A_55 = arith.constant 0 : i32
      %dma_wait3A_56 = tpu.memref_slice %arg6[%dma_wait3A_55] : memref<528xi32, #tpu.memory_space<vmem>> -> memref<512xi32, #tpu.memory_space<vmem>>
      tpu.wait_dma2 semaphore(%run_scoped3A : memref<!tpu.dma_semaphore, #tpu.memory_space<semaphore_mem>>) src(%dma_wait3A_56 : memref<512xi32, #tpu.memory_space<vmem>>) dst(%dma_wait3A_54 : memref<512xi32, #tpu.memory_space<hbm>>)
      tpu.yield
    }) : () -> ()
    return
  }
}

module attributes {stable_mosaic.version = 14 : i64} {
  func.func @_q_body(%arg0: i32, %arg1: i32, %arg2: memref<1x512x1024xf32, #tpu.memory_space<vmem>>, %arg3: memref<1024x1024xbf16, #tpu.memory_space<vmem>>, %arg4: memref<1x1024xf32, #tpu.memory_space<vmem>>, %arg5: memref<1024x16xf32, #tpu.memory_space<vmem>>, %arg6: memref<16x1024xf32, #tpu.memory_space<vmem>>, %arg7: memref<1x8x1024xf32, #tpu.memory_space<vmem>>, %arg8: memref<1x512x1024xf32, #tpu.memory_space<vmem>>, %arg9: memref<16x512xf32, #tpu.memory_space<vmem>>) attributes {dimension_semantics = [#tpu.dimension_semantics<arbitrary>, #tpu.dimension_semantics<arbitrary>], iteration_bounds = array<i64: 2, 4>, scalar_prefetch = 0 : i64, scratch_operands = 0 : i64, tpu.core_type = #tpu.core_type<tc>, window_params = [{transform_indices = @transform_0, window_bounds = array<i64: 1, 512, 1024>}, {pipeline_mode = #tpu.pipeline_mode<synchronous>, transform_indices = @transform_1, window_bounds = array<i64: 1024, 1024>}, {pipeline_mode = #tpu.pipeline_mode<synchronous>, transform_indices = @transform_2, window_bounds = array<i64: 1, 1024>}, {pipeline_mode = #tpu.pipeline_mode<synchronous>, transform_indices = @transform_3, window_bounds = array<i64: 1024, 16>}, {pipeline_mode = #tpu.pipeline_mode<synchronous>, transform_indices = @transform_4, window_bounds = array<i64: 16, 1024>}, {transform_indices = @transform_5, window_bounds = array<i64: 1, 8, 1024>}, {transform_indices = @transform_6, window_bounds = array<i64: 1, 512, 1024>}, {transform_indices = @transform_7, window_bounds = array<i64: 16, 512>}]} {
    %get3A = arith.constant 0 : index
    %get3A_0 = arith.constant 0 : index
    %get3A_1 = arith.constant 0 : index
    %get3A_2 = vector.load %arg2[%get3A, %get3A_0, %get3A_1] : memref<1x512x1024xf32, #tpu.memory_space<vmem>>, vector<1x512x1024xf32>
    %get3A_3 = vector.shape_cast %get3A_2 : vector<1x512x1024xf32> to vector<512x1024xf32>
    %convert_element_type3A = arith.truncf %get3A_3 : vector<512x1024xf32> to vector<512x1024xbf16>
    %get3A_4 = arith.constant 0 : index
    %get3A_5 = arith.constant 0 : index
    %get3A_6 = vector.load %arg3[%get3A_4, %get3A_5] : memref<1024x1024xbf16, #tpu.memory_space<vmem>>, vector<1024x1024xbf16>
    %dot_general3A = arith.constant dense<0.000000e+00> : vector<512x1024xf32>
    %dot_general3A_7 = tpu.matmul %convert_element_type3A, %get3A_6, %dot_general3A {dimension_numbers = #tpu.dot_dimension_numbers<[1], [0], [0], [1], [0, 0, 1, 1], [], []>, transpose_lhs_hint = false} : vector<512x1024xbf16>, vector<1024x1024xbf16>, vector<512x1024xf32> -> vector<512x1024xf32>
    %get3A_8 = arith.constant 0 : index
    %get3A_9 = arith.constant 0 : index
    %get3A_10 = vector.load %arg4[%get3A_8, %get3A_9] : memref<1x1024xf32, #tpu.memory_space<vmem>>, vector<1x1024xf32>
    %add3A = vector.broadcast %get3A_10 : vector<1x1024xf32> to vector<512x1024xf32>
    %add3A_11 = arith.addf %dot_general3A_7, %add3A : vector<512x1024xf32>
    %swap3A = arith.constant 0 : index
    %swap3A_12 = arith.constant 0 : index
    %swap3A_13 = arith.constant 0 : index
    %swap3A_14 = vector.load %arg8[%swap3A, %swap3A_12, %swap3A_13] : memref<1x512x1024xf32, #tpu.memory_space<vmem>>, vector<1x512x1024xf32>
    %swap3A_15 = vector.shape_cast %swap3A_14 : vector<1x512x1024xf32> to vector<512x1024xf32>
    %swap3A_16 = vector.shape_cast %add3A_11 : vector<512x1024xf32> to vector<1x512x1024xf32>
    tpu.vector_store %arg8[%swap3A, %swap3A_12, %swap3A_13], %swap3A_16 {strides = array<i32>} : memref<1x512x1024xf32, #tpu.memory_space<vmem>>, vector<1x512x1024xf32>,
    %mul3A = arith.mulf %add3A_11, %add3A_11 : vector<512x1024xf32>
    %get3A_17 = arith.constant 0 : index
    %get3A_18 = arith.constant 0 : index
    %get3A_19 = vector.load %arg5[%get3A_17, %get3A_18] : memref<1024x16xf32, #tpu.memory_space<vmem>>, vector<1024x16xf32>
    %dot_general3A_20 = arith.constant dense<0.000000e+00> : vector<512x16xf32>
    %dot_general3A_21 = tpu.matmul %mul3A, %get3A_19, %dot_general3A_20 {dimension_numbers = #tpu.dot_dimension_numbers<[1], [0], [0], [1], [0, 0, 1, 1], [], []>, precision = #tpu.contract_precision<fp32>, transpose_lhs_hint = false} : vector<512x1024xf32>, vector<1024x16xf32>, vector<512x16xf32> -> vector<512x16xf32>
    %sqrt3A = math.sqrt %dot_general3A_21 : vector<512x16xf32>
    %get3A_22 = arith.constant 0 : index
    %get3A_23 = arith.constant 0 : index
    %get3A_24 = vector.load %arg6[%get3A_22, %get3A_23] : memref<16x1024xf32, #tpu.memory_space<vmem>>, vector<16x1024xf32>
    %dot_general3A_25 = arith.constant dense<0.000000e+00> : vector<512x1024xf32>
    %dot_general3A_26 = tpu.matmul %sqrt3A, %get3A_24, %dot_general3A_25 {dimension_numbers = #tpu.dot_dimension_numbers<[1], [0], [0], [1], [0, 0, 1, 1], [], []>, precision = #tpu.contract_precision<fp32>, transpose_lhs_hint = false} : vector<512x16xf32>, vector<16x1024xf32>, vector<512x1024xf32> -> vector<512x1024xf32>
    %div3A = arith.divf %add3A_11, %dot_general3A_26 : vector<512x1024xf32>
    %bitcast_convert_type3A = tpu.bitcast %div3A : vector<512x1024xf32> -> vector<512x1024xi32>
    %shift_right_arithmetic3A = arith.constant 16 : i32
    %shift_right_arithmetic3A_27 = vector.broadcast %shift_right_arithmetic3A : i32 to vector<512x1024xi32>
    %shift_right_arithmetic3A_28 = arith.shrsi %bitcast_convert_type3A, %shift_right_arithmetic3A_27 : vector<512x1024xi32>
    %and3A = arith.constant 1 : i32
    %and3A_29 = vector.broadcast %and3A : i32 to vector<512x1024xi32>
    %and3A_30 = arith.andi %shift_right_arithmetic3A_28, %and3A_29 : vector<512x1024xi32>
    %add3A_31 = arith.addi %bitcast_convert_type3A, %and3A_30 : vector<512x1024xi32>
    %add3A_32 = arith.constant 32767 : i32
    %add3A_33 = vector.broadcast %add3A_32 : i32 to vector<512x1024xi32>
    %add3A_34 = arith.addi %add3A_31, %add3A_33 : vector<512x1024xi32>
    %and3A_35 = arith.constant -65536 : i32
    %and3A_36 = vector.broadcast %and3A_35 : i32 to vector<512x1024xi32>
    %and3A_37 = arith.andi %add3A_34, %and3A_36 : vector<512x1024xi32>
    %bitcast_convert_type3A_38 = tpu.bitcast %and3A_37 : vector<512x1024xi32> -> vector<512x1024xf32>
    %get3A_39 = arith.constant 0 : index
    %get3A_40 = arith.constant 0 : index
    %get3A_41 = arith.constant 0 : index
    %get3A_42 = vector.load %arg7[%get3A_39, %get3A_40, %get3A_41] : memref<1x8x1024xf32, #tpu.memory_space<vmem>>, vector<1x1x1024xf32>
    %get3A_43 = vector.shape_cast %get3A_42 : vector<1x1x1024xf32> to vector<1x1024xf32>
    %mul3A_44 = arith.constant 4.8828125E-4 : f32
    %mul3A_45 = vector.broadcast %mul3A_44 : f32 to vector<1x1024xf32>
    %mul3A_46 = arith.mulf %get3A_43, %mul3A_45 : vector<1x1024xf32>
    %mul3A_47 = vector.broadcast %mul3A_46 : vector<1x1024xf32> to vector<512x1024xf32>
    %mul3A_48 = arith.mulf %bitcast_convert_type3A_38, %mul3A_47 : vector<512x1024xf32>
    %get3A_49 = arith.constant 0 : index
    %get3A_50 = arith.constant 0 : index
    %get3A_51 = vector.load %arg5[%get3A_49, %get3A_50] : memref<1024x16xf32, #tpu.memory_space<vmem>>, vector<1024x16xf32>
    %dot_general3A_52 = arith.constant dense<0.000000e+00> : vector<512x16xf32>
    %dot_general3A_53 = tpu.matmul %mul3A_48, %get3A_51, %dot_general3A_52 {dimension_numbers = #tpu.dot_dimension_numbers<[1], [0], [0], [1], [0, 0, 1, 1], [], []>, precision = #tpu.contract_precision<fp32>, transpose_lhs_hint = false} : vector<512x1024xf32>, vector<1024x16xf32>, vector<512x16xf32> -> vector<512x16xf32>
    %transpose3A = tpu.transpose %dot_general3A_53, [1, 0] : vector<512x16xf32> -> vector<16x512xf32>
    %swap3A_54 = arith.constant 0 : index
    %swap3A_55 = arith.constant 0 : index
    %swap3A_56 = vector.load %arg9[%swap3A_54, %swap3A_55] : memref<16x512xf32, #tpu.memory_space<vmem>>, vector<16x512xf32>
    tpu.vector_store %arg9[%swap3A_54, %swap3A_55], %transpose3A {strides = array<i32>} : memref<16x512xf32, #tpu.memory_space<vmem>>, vector<16x512xf32>,
    return
  }
  func.func @transform_0(%arg0: i32, %arg1: i32) -> (i32, i32, i32) {
    %c0_i32 = arith.constant 0 : i32
    %c0_i32_0 = arith.constant 0 : i32
    return %arg0, %arg1, %c0_i32 : i32, i32, i32
  }
  func.func @transform_1(%arg0: i32, %arg1: i32) -> (i32, i32) {
    %c0_i32 = arith.constant 0 : i32
    %c0_i32_0 = arith.constant 0 : i32
    %c0_i32_1 = arith.constant 0 : i32
    return %c0_i32, %c0_i32_0 : i32, i32
  }
  func.func @transform_2(%arg0: i32, %arg1: i32) -> (i32, i32) {
    %c0_i32 = arith.constant 0 : i32
    %c0_i32_0 = arith.constant 0 : i32
    %c0_i32_1 = arith.constant 0 : i32
    return %c0_i32, %c0_i32_0 : i32, i32
  }
  func.func @transform_3(%arg0: i32, %arg1: i32) -> (i32, i32) {
    %c0_i32 = arith.constant 0 : i32
    %c0_i32_0 = arith.constant 0 : i32
    %c0_i32_1 = arith.constant 0 : i32
    return %c0_i32, %c0_i32_0 : i32, i32
  }
  func.func @transform_4(%arg0: i32, %arg1: i32) -> (i32, i32) {
    %c0_i32 = arith.constant 0 : i32
    %c0_i32_0 = arith.constant 0 : i32
    %c0_i32_1 = arith.constant 0 : i32
    return %c0_i32, %c0_i32_0 : i32, i32
  }
  func.func @transform_5(%arg0: i32, %arg1: i32) -> (i32, i32, i32) {
    %c0_i32 = arith.constant 0 : i32
    %c0_i32_0 = arith.constant 0 : i32
    %c0_i32_1 = arith.constant 0 : i32
    return %arg0, %c0_i32, %c0_i32_0 : i32, i32, i32
  }
  func.func @transform_6(%arg0: i32, %arg1: i32) -> (i32, i32, i32) {
    %c0_i32 = arith.constant 0 : i32
    %c0_i32_0 = arith.constant 0 : i32
    return %arg0, %arg1, %c0_i32 : i32, i32, i32
  }
  func.func @transform_7(%arg0: i32, %arg1: i32) -> (i32, i32) {
    %c0_i32 = arith.constant 0 : i32
    return %arg0, %arg1 : i32, i32
  }
}

module attributes {stable_mosaic.version = 14 : i64} {
  func.func @_kv_body(%arg0: i32, %arg1: i32, %arg2: memref<1x512x1024xf32, #tpu.memory_space<vmem>>, %arg3: memref<1x512x1024xf32, #tpu.memory_space<vmem>>, %arg4: memref<1024x1024xbf16, #tpu.memory_space<vmem>>, %arg5: memref<1024x1024xbf16, #tpu.memory_space<vmem>>, %arg6: memref<1x1024xf32, #tpu.memory_space<vmem>>, %arg7: memref<1x1024xf32, #tpu.memory_space<vmem>>, %arg8: memref<1024x16xf32, #tpu.memory_space<vmem>>, %arg9: memref<16x1024xf32, #tpu.memory_space<vmem>>, %arg10: memref<1x512x1024xf32, #tpu.memory_space<vmem>>, %arg11: memref<1x512x1024xf32, #tpu.memory_space<vmem>>, %arg12: memref<1x8x1024xf32, #tpu.memory_space<vmem>>) attributes {dimension_semantics = [#tpu.dimension_semantics<arbitrary>, #tpu.dimension_semantics<arbitrary>], iteration_bounds = array<i64: 2, 4>, scalar_prefetch = 0 : i64, scratch_operands = 0 : i64, tpu.core_type = #tpu.core_type<tc>, window_params = [{transform_indices = @transform_0, window_bounds = array<i64: 1, 512, 1024>}, {transform_indices = @transform_1, window_bounds = array<i64: 1, 512, 1024>}, {pipeline_mode = #tpu.pipeline_mode<synchronous>, transform_indices = @transform_2, window_bounds = array<i64: 1024, 1024>}, {pipeline_mode = #tpu.pipeline_mode<synchronous>, transform_indices = @transform_3, window_bounds = array<i64: 1024, 1024>}, {pipeline_mode = #tpu.pipeline_mode<synchronous>, transform_indices = @transform_4, window_bounds = array<i64: 1, 1024>}, {pipeline_mode = #tpu.pipeline_mode<synchronous>, transform_indices = @transform_5, window_bounds = array<i64: 1, 1024>}, {pipeline_mode = #tpu.pipeline_mode<synchronous>, transform_indices = @transform_6, window_bounds = array<i64: 1024, 16>}, {pipeline_mode = #tpu.pipeline_mode<synchronous>, transform_indices = @transform_7, window_bounds = array<i64: 16, 1024>}, {transform_indices = @transform_8, window_bounds = array<i64: 1, 512, 1024>}, {transform_indices = @transform_9, window_bounds = array<i64: 1, 512, 1024>}, {transform_indices = @transform_10, window_bounds = array<i64: 1, 8, 1024>}]} {
    %get3A = arith.constant 0 : index
    %get3A_0 = arith.constant 0 : index
    %get3A_1 = arith.constant 0 : index
    %get3A_2 = vector.load %arg2[%get3A, %get3A_0, %get3A_1] : memref<1x512x1024xf32, #tpu.memory_space<vmem>>, vector<1x512x1024xf32>
    %get3A_3 = vector.shape_cast %get3A_2 : vector<1x512x1024xf32> to vector<512x1024xf32>
    %convert_element_type3A = arith.truncf %get3A_3 : vector<512x1024xf32> to vector<512x1024xbf16>
    %get3A_4 = arith.constant 0 : index
    %get3A_5 = arith.constant 0 : index
    %get3A_6 = vector.load %arg4[%get3A_4, %get3A_5] : memref<1024x1024xbf16, #tpu.memory_space<vmem>>, vector<1024x1024xbf16>
    %dot_general3A = arith.constant dense<0.000000e+00> : vector<512x1024xf32>
    %dot_general3A_7 = tpu.matmul %convert_element_type3A, %get3A_6, %dot_general3A {dimension_numbers = #tpu.dot_dimension_numbers<[1], [0], [0], [1], [0, 0, 1, 1], [], []>, transpose_lhs_hint = false} : vector<512x1024xbf16>, vector<1024x1024xbf16>, vector<512x1024xf32> -> vector<512x1024xf32>
    %get3A_8 = arith.constant 0 : index
    %get3A_9 = arith.constant 0 : index
    %get3A_10 = vector.load %arg6[%get3A_8, %get3A_9] : memref<1x1024xf32, #tpu.memory_space<vmem>>, vector<1x1024xf32>
    %add3A = vector.broadcast %get3A_10 : vector<1x1024xf32> to vector<512x1024xf32>
    %add3A_11 = arith.addf %dot_general3A_7, %add3A : vector<512x1024xf32>
    %get3A_12 = arith.constant 0 : index
    %get3A_13 = arith.constant 0 : index
    %get3A_14 = arith.constant 0 : index
    %get3A_15 = vector.load %arg3[%get3A_12, %get3A_13, %get3A_14] : memref<1x512x1024xf32, #tpu.memory_space<vmem>>, vector<1x512x1024xf32>
    %get3A_16 = vector.shape_cast %get3A_15 : vector<1x512x1024xf32> to vector<512x1024xf32>
    %convert_element_type3A_17 = arith.truncf %get3A_16 : vector<512x1024xf32> to vector<512x1024xbf16>
    %get3A_18 = arith.constant 0 : index
    %get3A_19 = arith.constant 0 : index
    %get3A_20 = vector.load %arg5[%get3A_18, %get3A_19] : memref<1024x1024xbf16, #tpu.memory_space<vmem>>, vector<1024x1024xbf16>
    %dot_general3A_21 = arith.constant dense<0.000000e+00> : vector<512x1024xf32>
    %dot_general3A_22 = tpu.matmul %convert_element_type3A_17, %get3A_20, %dot_general3A_21 {dimension_numbers = #tpu.dot_dimension_numbers<[1], [0], [0], [1], [0, 0, 1, 1], [], []>, transpose_lhs_hint = false} : vector<512x1024xbf16>, vector<1024x1024xbf16>, vector<512x1024xf32> -> vector<512x1024xf32>
    %get3A_23 = arith.constant 0 : index
    %get3A_24 = arith.constant 0 : index
    %get3A_25 = vector.load %arg7[%get3A_23, %get3A_24] : memref<1x1024xf32, #tpu.memory_space<vmem>>, vector<1x1024xf32>
    %add3A_26 = vector.broadcast %get3A_25 : vector<1x1024xf32> to vector<512x1024xf32>
    %add3A_27 = arith.addf %dot_general3A_22, %add3A_26 : vector<512x1024xf32>
    %swap3A = arith.constant 0 : index
    %swap3A_28 = arith.constant 0 : index
    %swap3A_29 = arith.constant 0 : index
    %swap3A_30 = vector.load %arg10[%swap3A, %swap3A_28, %swap3A_29] : memref<1x512x1024xf32, #tpu.memory_space<vmem>>, vector<1x512x1024xf32>
    %swap3A_31 = vector.shape_cast %swap3A_30 : vector<1x512x1024xf32> to vector<512x1024xf32>
    %swap3A_32 = vector.shape_cast %add3A_11 : vector<512x1024xf32> to vector<1x512x1024xf32>
    tpu.vector_store %arg10[%swap3A, %swap3A_28, %swap3A_29], %swap3A_32 {strides = array<i32>} : memref<1x512x1024xf32, #tpu.memory_space<vmem>>, vector<1x512x1024xf32>,
    %swap3A_33 = arith.constant 0 : index
    %swap3A_34 = arith.constant 0 : index
    %swap3A_35 = arith.constant 0 : index
    %swap3A_36 = vector.load %arg11[%swap3A_33, %swap3A_34, %swap3A_35] : memref<1x512x1024xf32, #tpu.memory_space<vmem>>, vector<1x512x1024xf32>
    %swap3A_37 = vector.shape_cast %swap3A_36 : vector<1x512x1024xf32> to vector<512x1024xf32>
    %swap3A_38 = vector.shape_cast %add3A_27 : vector<512x1024xf32> to vector<1x512x1024xf32>
    tpu.vector_store %arg11[%swap3A_33, %swap3A_34, %swap3A_35], %swap3A_38 {strides = array<i32>} : memref<1x512x1024xf32, #tpu.memory_space<vmem>>, vector<1x512x1024xf32>,
    %mul3A = arith.mulf %add3A_11, %add3A_11 : vector<512x1024xf32>
    %get3A_39 = arith.constant 0 : index
    %get3A_40 = arith.constant 0 : index
    %get3A_41 = vector.load %arg8[%get3A_39, %get3A_40] : memref<1024x16xf32, #tpu.memory_space<vmem>>, vector<1024x16xf32>
    %dot_general3A_42 = arith.constant dense<0.000000e+00> : vector<512x16xf32>
    %dot_general3A_43 = tpu.matmul %mul3A, %get3A_41, %dot_general3A_42 {dimension_numbers = #tpu.dot_dimension_numbers<[1], [0], [0], [1], [0, 0, 1, 1], [], []>, precision = #tpu.contract_precision<fp32>, transpose_lhs_hint = false} : vector<512x1024xf32>, vector<1024x16xf32>, vector<512x16xf32> -> vector<512x16xf32>
    %sqrt3A = math.sqrt %dot_general3A_43 : vector<512x16xf32>
    %get3A_44 = arith.constant 0 : index
    %get3A_45 = arith.constant 0 : index
    %get3A_46 = vector.load %arg9[%get3A_44, %get3A_45] : memref<16x1024xf32, #tpu.memory_space<vmem>>, vector<16x1024xf32>
    %dot_general3A_47 = arith.constant dense<0.000000e+00> : vector<512x1024xf32>
    %dot_general3A_48 = tpu.matmul %sqrt3A, %get3A_46, %dot_general3A_47 {dimension_numbers = #tpu.dot_dimension_numbers<[1], [0], [0], [1], [0, 0, 1, 1], [], []>, precision = #tpu.contract_precision<fp32>, transpose_lhs_hint = false} : vector<512x16xf32>, vector<16x1024xf32>, vector<512x1024xf32> -> vector<512x1024xf32>
    %div3A = arith.divf %add3A_11, %dot_general3A_48 : vector<512x1024xf32>
    %bitcast_convert_type3A = tpu.bitcast %div3A : vector<512x1024xf32> -> vector<512x1024xi32>
    %shift_right_arithmetic3A = arith.constant 16 : i32
    %shift_right_arithmetic3A_49 = vector.broadcast %shift_right_arithmetic3A : i32 to vector<512x1024xi32>
    %shift_right_arithmetic3A_50 = arith.shrsi %bitcast_convert_type3A, %shift_right_arithmetic3A_49 : vector<512x1024xi32>
    %and3A = arith.constant 1 : i32
    %and3A_51 = vector.broadcast %and3A : i32 to vector<512x1024xi32>
    %and3A_52 = arith.andi %shift_right_arithmetic3A_50, %and3A_51 : vector<512x1024xi32>
    %add3A_53 = arith.addi %bitcast_convert_type3A, %and3A_52 : vector<512x1024xi32>
    %add3A_54 = arith.constant 32767 : i32
    %add3A_55 = vector.broadcast %add3A_54 : i32 to vector<512x1024xi32>
    %add3A_56 = arith.addi %add3A_53, %add3A_55 : vector<512x1024xi32>
    %and3A_57 = arith.constant -65536 : i32
    %and3A_58 = vector.broadcast %and3A_57 : i32 to vector<512x1024xi32>
    %and3A_59 = arith.andi %add3A_56, %and3A_58 : vector<512x1024xi32>
    %bitcast_convert_type3A_60 = tpu.bitcast %and3A_59 : vector<512x1024xi32> -> vector<512x1024xf32>
    %reduce_sum3A = arith.constant dense<0.000000e+00> : vector<1024xf32>
    %reduce_sum3A_61 = vector.multi_reduction <add>, %bitcast_convert_type3A_60, %reduce_sum3A [0] : vector<512x1024xf32> to vector<1024xf32>
    %broadcast_in_dim3A = vector.shape_cast %reduce_sum3A_61 : vector<1024xf32> to vector<1x1024xf32>
    %broadcast_in_dim3A_62 = vector.shape_cast %broadcast_in_dim3A : vector<1x1024xf32> to vector<1x1x1024xf32>
    %broadcast_in_dim3A_63 = vector.shape_cast %broadcast_in_dim3A_62 : vector<1x1x1024xf32> to vector<1x1x1024xf32>
    %broadcast_in_dim3A_64 = vector.broadcast %broadcast_in_dim3A_63 : vector<1x1x1024xf32> to vector<1x8x1024xf32>
    %eq3A = arith.constant 0 : i32
    %eq3A_65 = arith.cmpi eq, %arg1, %eq3A : i32
    %convert_element_type3A_66 = arith.extui %eq3A_65 : i1 to i32
    %cond3A = arith.constant 0 : i32
    %cond3A_67 = arith.cmpi ne, %convert_element_type3A_66, %cond3A : i32
    scf.if %cond3A_67 {
      %swap3A_72 = arith.constant 0 : index
      %swap3A_73 = arith.constant 0 : index
      %swap3A_74 = arith.constant 0 : index
      %swap3A_75 = vector.load %arg12[%swap3A_72, %swap3A_73, %swap3A_74] : memref<1x8x1024xf32, #tpu.memory_space<vmem>>, vector<1x8x1024xf32>
      tpu.vector_store %arg12[%swap3A_72, %swap3A_73, %swap3A_74], %broadcast_in_dim3A_64 {strides = array<i32>} : memref<1x8x1024xf32, #tpu.memory_space<vmem>>, vector<1x8x1024xf32>,
    } else {
    }
    %ne3A = arith.constant 0 : i32
    %ne3A_68 = arith.cmpi ne, %arg1, %ne3A : i32
    %convert_element_type3A_69 = arith.extui %ne3A_68 : i1 to i32
    %cond3A_70 = arith.constant 0 : i32
    %cond3A_71 = arith.cmpi ne, %convert_element_type3A_69, %cond3A_70 : i32
    scf.if %cond3A_71 {
      %get3A_72 = arith.constant 0 : index
      %get3A_73 = arith.constant 0 : index
      %get3A_74 = arith.constant 0 : index
      %get3A_75 = vector.load %arg12[%get3A_72, %get3A_73, %get3A_74] : memref<1x8x1024xf32, #tpu.memory_space<vmem>>, vector<1x8x1024xf32>
      %add3A_76 = arith.addf %get3A_75, %broadcast_in_dim3A_64 : vector<1x8x1024xf32>
      %swap3A_77 = arith.constant 0 : index
      %swap3A_78 = arith.constant 0 : index
      %swap3A_79 = arith.constant 0 : index
      %swap3A_80 = vector.load %arg12[%swap3A_77, %swap3A_78, %swap3A_79] : memref<1x8x1024xf32, #tpu.memory_space<vmem>>, vector<1x8x1024xf32>
      tpu.vector_store %arg12[%swap3A_77, %swap3A_78, %swap3A_79], %add3A_76 {strides = array<i32>} : memref<1x8x1024xf32, #tpu.memory_space<vmem>>, vector<1x8x1024xf32>,
    } else {
    }
    return
  }
  func.func @transform_0(%arg0: i32, %arg1: i32) -> (i32, i32, i32) {
    %c0_i32 = arith.constant 0 : i32
    %c0_i32_0 = arith.constant 0 : i32
    return %arg0, %arg1, %c0_i32 : i32, i32, i32
  }
  func.func @transform_1(%arg0: i32, %arg1: i32) -> (i32, i32, i32) {
    %c0_i32 = arith.constant 0 : i32
    %c0_i32_0 = arith.constant 0 : i32
    return %arg0, %arg1, %c0_i32 : i32, i32, i32
  }
  func.func @transform_2(%arg0: i32, %arg1: i32) -> (i32, i32) {
    %c0_i32 = arith.constant 0 : i32
    %c0_i32_0 = arith.constant 0 : i32
    %c0_i32_1 = arith.constant 0 : i32
    return %c0_i32, %c0_i32_0 : i32, i32
  }
  func.func @transform_3(%arg0: i32, %arg1: i32) -> (i32, i32) {
    %c0_i32 = arith.constant 0 : i32
    %c0_i32_0 = arith.constant 0 : i32
    %c0_i32_1 = arith.constant 0 : i32
    return %c0_i32, %c0_i32_0 : i32, i32
  }
  func.func @transform_4(%arg0: i32, %arg1: i32) -> (i32, i32) {
    %c0_i32 = arith.constant 0 : i32
    %c0_i32_0 = arith.constant 0 : i32
    %c0_i32_1 = arith.constant 0 : i32
    return %c0_i32, %c0_i32_0 : i32, i32
  }
  func.func @transform_5(%arg0: i32, %arg1: i32) -> (i32, i32) {
    %c0_i32 = arith.constant 0 : i32
    %c0_i32_0 = arith.constant 0 : i32
    %c0_i32_1 = arith.constant 0 : i32
    return %c0_i32, %c0_i32_0 : i32, i32
  }
  func.func @transform_6(%arg0: i32, %arg1: i32) -> (i32, i32) {
    %c0_i32 = arith.constant 0 : i32
    %c0_i32_0 = arith.constant 0 : i32
    %c0_i32_1 = arith.constant 0 : i32
    return %c0_i32, %c0_i32_0 : i32, i32
  }
  func.func @transform_7(%arg0: i32, %arg1: i32) -> (i32, i32) {
    %c0_i32 = arith.constant 0 : i32
    %c0_i32_0 = arith.constant 0 : i32
    %c0_i32_1 = arith.constant 0 : i32
    return %c0_i32, %c0_i32_0 : i32, i32
  }
  func.func @transform_8(%arg0: i32, %arg1: i32) -> (i32, i32, i32) {
    %c0_i32 = arith.constant 0 : i32
    %c0_i32_0 = arith.constant 0 : i32
    return %arg0, %arg1, %c0_i32 : i32, i32, i32
  }
  func.func @transform_9(%arg0: i32, %arg1: i32) -> (i32, i32, i32) {
    %c0_i32 = arith.constant 0 : i32
    %c0_i32_0 = arith.constant 0 : i32
    return %arg0, %arg1, %c0_i32 : i32, i32, i32
  }
  func.func @transform_10(%arg0: i32, %arg1: i32) -> (i32, i32, i32) {
    %c0_i32 = arith.constant 0 : i32
    %c0_i32_0 = arith.constant 0 : i32
    %c0_i32_1 = arith.constant 0 : i32
    return %arg0, %c0_i32, %c0_i32_0 : i32, i32, i32
  }
}

module attributes {stable_mosaic.version = 14 : i64} {
  func.func @_attn_body(%arg0: i32, %arg1: memref<1x2048x128xf32, #tpu.memory_space<vmem>>, %arg2: memref<1x2048x128xf32, #tpu.memory_space<vmem>>, %arg3: memref<1x2048x128xf32, #tpu.memory_space<vmem>>, %arg4: memref<1x1x416xi32, #tpu.memory_space<vmem>>, %arg5: memref<1x2048x64xf32, #tpu.memory_space<vmem>>) attributes {dimension_semantics = [#tpu.dimension_semantics<arbitrary>], iteration_bounds = array<i64: 32>, scalar_prefetch = 0 : i64, scratch_operands = 0 : i64, tpu.core_type = #tpu.core_type<tc>, window_params = [{transform_indices = @transform_0, window_bounds = array<i64: 1, 2048, 128>}, {transform_indices = @transform_1, window_bounds = array<i64: 1, 2048, 128>}, {transform_indices = @transform_2, window_bounds = array<i64: 1, 2048, 128>}, {transform_indices = @transform_3, window_bounds = array<i64: 1, 1, 416>}, {transform_indices = @transform_4, window_bounds = array<i64: 1, 2048, 64>}]} {
    %jit3A = arith.constant 2 : i32
    %eq3A = arith.constant 0 : i32
    %eq3A_0 = arith.cmpi eq, %jit3A, %eq3A : i32
    %jit3A_1 = arith.constant 1 : i32
    %select_n3A = arith.select %eq3A_0, %jit3A_1, %jit3A : i32
    %rem3A = arith.remsi %arg0, %select_n3A : i32
    %ne3A = arith.constant 0 : i32
    %ne3A_2 = arith.cmpi ne, %rem3A, %ne3A : i32
    %lt3A = arith.constant 0 : i32
    %lt3A_3 = arith.cmpi slt, %rem3A, %lt3A : i32
    %lt3A_4 = arith.constant 0 : i32
    %lt3A_5 = arith.cmpi slt, %select_n3A, %lt3A_4 : i32
    %ne3A_6 = arith.xori %lt3A_3, %lt3A_5 : i1
    %and3A = arith.andi %ne3A_6, %ne3A_2 : i1
    %add3A = arith.addi %rem3A, %select_n3A : i32
    %select_n3A_7 = arith.select %and3A, %add3A, %rem3A : i32
    %get3A = arith.constant 0 : index
    %get3A_8 = arith.constant 0 : index
    %get3A_9 = arith.constant 0 : index
    %get3A_10 = vector.load %arg1[%get3A, %get3A_8, %get3A_9] : memref<1x2048x128xf32, #tpu.memory_space<vmem>>, vector<1x2048x128xf32>
    %get3A_11 = vector.shape_cast %get3A_10 : vector<1x2048x128xf32> to vector<2048x128xf32>
    %get3A_12 = arith.constant 0 : index
    %get3A_13 = arith.constant 0 : index
    %get3A_14 = arith.constant 0 : index
    %get3A_15 = vector.load %arg2[%get3A_12, %get3A_13, %get3A_14] : memref<1x2048x128xf32, #tpu.memory_space<vmem>>, vector<1x2048x128xf32>
    %get3A_16 = vector.shape_cast %get3A_15 : vector<1x2048x128xf32> to vector<2048x128xf32>
    %get3A_17 = arith.constant 0 : index
    %get3A_18 = arith.constant 0 : index
    %get3A_19 = arith.constant 0 : index
    %get3A_20 = vector.load %arg3[%get3A_17, %get3A_18, %get3A_19] : memref<1x2048x128xf32, #tpu.memory_space<vmem>>, vector<1x2048x128xf32>
    %get3A_21 = vector.shape_cast %get3A_20 : vector<1x2048x128xf32> to vector<2048x128xf32>
    %eq3A_22 = arith.constant 0 : i32
    %eq3A_23 = arith.cmpi eq, %select_n3A_7, %eq3A_22 : i32
    %slice3A = vector.extract_strided_slice %get3A_11 {offsets = [0, 0], sizes = [2048, 64], strides = [1, 1]} : vector<2048x128xf32> to vector<2048x64xf32>
    %slice3A_24 = vector.extract_strided_slice %get3A_11 {offsets = [0, 64], sizes = [2048, 64], strides = [1, 1]} : vector<2048x128xf32> to vector<2048x64xf32>
    %select_n3A_25 = arith.select %eq3A_23, %slice3A, %slice3A_24 : vector<2048x64xf32>
    %convert_element_type3A = arith.truncf %select_n3A_25 : vector<2048x64xf32> to vector<2048x64xbf16>
    %eq3A_26 = arith.constant 0 : i32
    %eq3A_27 = arith.cmpi eq, %select_n3A_7, %eq3A_26 : i32
    %slice3A_28 = vector.extract_strided_slice %get3A_16 {offsets = [0, 0], sizes = [2048, 64], strides = [1, 1]} : vector<2048x128xf32> to vector<2048x64xf32>
    %slice3A_29 = vector.extract_strided_slice %get3A_16 {offsets = [0, 64], sizes = [2048, 64], strides = [1, 1]} : vector<2048x128xf32> to vector<2048x64xf32>
    %select_n3A_30 = arith.select %eq3A_27, %slice3A_28, %slice3A_29 : vector<2048x64xf32>
    %convert_element_type3A_31 = arith.truncf %select_n3A_30 : vector<2048x64xf32> to vector<2048x64xbf16>
    %eq3A_32 = arith.constant 0 : i32
    %eq3A_33 = arith.cmpi eq, %select_n3A_7, %eq3A_32 : i32
    %slice3A_34 = vector.extract_strided_slice %get3A_21 {offsets = [0, 0], sizes = [2048, 64], strides = [1, 1]} : vector<2048x128xf32> to vector<2048x64xf32>
    %slice3A_35 = vector.extract_strided_slice %get3A_21 {offsets = [0, 64], sizes = [2048, 64], strides = [1, 1]} : vector<2048x128xf32> to vector<2048x64xf32>
    %select_n3A_36 = arith.select %eq3A_33, %slice3A_34, %slice3A_35 : vector<2048x64xf32>
    %convert_element_type3A_37 = arith.truncf %select_n3A_36 : vector<2048x64xf32> to vector<2048x64xbf16>
    %get3A_38 = arith.constant 0 : index
    %get3A_39 = arith.constant 0 : index
    %get3A_40 = arith.constant 0 : index
    %get3A_41 = vector.load %arg4[%get3A_38, %get3A_39, %get3A_40] : memref<1x1x416xi32, #tpu.memory_space<vmem>>, vector<1x1x416xi32>
    %get3A_42 = vector.shape_cast %get3A_41 : vector<1x1x416xi32> to vector<1x416xi32>
    %iota3A = tpu.iota {dimensions = array<i32: 0>} : vector<2048x416xi32>
    %iota3A_43 = tpu.iota {dimensions = array<i32: 1>} : vector<2048x416xi32>
    %eq3A_44 = vector.broadcast %get3A_42 : vector<1x416xi32> to vector<2048x416xi32>
    %eq3A_45 = arith.cmpi eq, %iota3A, %eq3A_44 : vector<2048x416xi32>
    %lt3A_46 = arith.constant 409 : i32
    %lt3A_47 = vector.broadcast %lt3A_46 : i32 to vector<2048x416xi32>
    %lt3A_48 = arith.cmpi slt, %iota3A_43, %lt3A_47 : vector<2048x416xi32>
    %and3A_49 = arith.andi %eq3A_45, %lt3A_48 : vector<2048x416xi1>
    %convert_element_type3A_50 = arith.extui %and3A_49 : vector<2048x416xi1> to vector<2048x416xi32>
    %convert_element_type3A_51 = arith.sitofp %convert_element_type3A_50 : vector<2048x416xi32> to vector<2048x416xf32>
    %convert_element_type3A_52 = arith.truncf %convert_element_type3A_51 : vector<2048x416xf32> to vector<2048x416xbf16>
    %dot_general3A = arith.constant dense<0.000000e+00> : vector<416x64xf32>
    %dot_general3A_53 = tpu.matmul %convert_element_type3A_52, %convert_element_type3A, %dot_general3A {dimension_numbers = #tpu.dot_dimension_numbers<[0], [0], [1], [1], [0, 1, 1, 1], [], []>, transpose_lhs_hint = false} : vector<2048x416xbf16>, vector<2048x64xbf16>, vector<416x64xf32> -> vector<416x64xf32>
    %convert_element_type3A_54 = arith.truncf %dot_general3A_53 : vector<416x64xf32> to vector<416x64xbf16>
    %dot_general3A_55 = arith.constant dense<0.000000e+00> : vector<416x2048xf32>
    %dot_general3A_56 = tpu.matmul %convert_element_type3A_54, %convert_element_type3A_31, %dot_general3A_55 {dimension_numbers = #tpu.dot_dimension_numbers<[1], [1], [0], [0], [0, 0, 1, 0], [], []>, transpose_lhs_hint = false} : vector<416x64xbf16>, vector<2048x64xbf16>, vector<416x2048xf32> -> vector<416x2048xf32>
    %div3A = arith.constant 8.000000e+00 : f32
    %div3A_57 = vector.broadcast %div3A : f32 to vector<416x2048xf32>
    %div3A_58 = arith.divf %dot_general3A_56, %div3A_57 : vector<416x2048xf32>
    %reduce_max3A = arith.constant dense<0xFF800000> : vector<416xf32>
    %reduce_max3A_59 = vector.multi_reduction <maximumf>, %div3A_58, %reduce_max3A [1] : vector<416x2048xf32> to vector<416xf32>
    %broadcast_in_dim3A = vector.shape_cast %reduce_max3A_59 : vector<416xf32> to vector<416x1xf32>
    %sub3A = vector.broadcast %broadcast_in_dim3A : vector<416x1xf32> to vector<416x2048xf32>
    %sub3A_60 = arith.subf %div3A_58, %sub3A : vector<416x2048xf32>
    %exp3A = math.exp %sub3A_60 : vector<416x2048xf32>
    %reduce_sum3A = arith.constant dense<0.000000e+00> : vector<416xf32>
    %reduce_sum3A_61 = vector.multi_reduction <add>, %exp3A, %reduce_sum3A [1] : vector<416x2048xf32> to vector<416xf32>
    %broadcast_in_dim3A_62 = vector.shape_cast %reduce_sum3A_61 : vector<416xf32> to vector<416x1xf32>
    %div3A_63 = vector.broadcast %broadcast_in_dim3A_62 : vector<416x1xf32> to vector<416x2048xf32>
    %div3A_64 = arith.divf %exp3A, %div3A_63 : vector<416x2048xf32>
    %convert_element_type3A_65 = arith.truncf %div3A_64 : vector<416x2048xf32> to vector<416x2048xbf16>
    %dot_general3A_66 = arith.constant dense<0.000000e+00> : vector<416x64xf32>
    %dot_general3A_67 = tpu.matmul %convert_element_type3A_65, %convert_element_type3A_37, %dot_general3A_66 {dimension_numbers = #tpu.dot_dimension_numbers<[1], [0], [0], [1], [0, 0, 1, 1], [], []>, transpose_lhs_hint = false} : vector<416x2048xbf16>, vector<2048x64xbf16>, vector<416x64xf32> -> vector<416x64xf32>
    %convert_element_type3A_68 = arith.truncf %dot_general3A_67 : vector<416x64xf32> to vector<416x64xbf16>
    %dot_general3A_69 = arith.constant dense<0.000000e+00> : vector<2048x64xf32>
    %dot_general3A_70 = tpu.matmul %convert_element_type3A_52, %convert_element_type3A_68, %dot_general3A_69 {dimension_numbers = #tpu.dot_dimension_numbers<[1], [0], [0], [1], [0, 0, 1, 1], [], []>, transpose_lhs_hint = false} : vector<2048x416xbf16>, vector<416x64xbf16>, vector<2048x64xf32> -> vector<2048x64xf32>
    %swap3A = arith.constant 0 : index
    %swap3A_71 = arith.constant 0 : index
    %swap3A_72 = arith.constant 0 : index
    %swap3A_73 = vector.load %arg5[%swap3A, %swap3A_71, %swap3A_72] : memref<1x2048x64xf32, #tpu.memory_space<vmem>>, vector<1x2048x64xf32>
    %swap3A_74 = vector.shape_cast %swap3A_73 : vector<1x2048x64xf32> to vector<2048x64xf32>
    %swap3A_75 = vector.shape_cast %dot_general3A_70 : vector<2048x64xf32> to vector<1x2048x64xf32>
    tpu.vector_store %arg5[%swap3A, %swap3A_71, %swap3A_72], %swap3A_75 {strides = array<i32>} : memref<1x2048x64xf32, #tpu.memory_space<vmem>>, vector<1x2048x64xf32>,
    return
  }
  func.func @transform_0(%arg0: i32) -> (i32, i32, i32) {
    %jit3A = arith.constant 16 : i32
    %div3A = arith.divsi %arg0, %jit3A : i32
    %sign3A = arith.constant 0 : i32
    %sign3A_0 = arith.cmpi sgt, %arg0, %sign3A : i32
    %sign3A_1 = arith.extui %sign3A_0 : i1 to i32
    %sign3A_2 = arith.constant 0 : i32
    %sign3A_3 = arith.cmpi slt, %arg0, %sign3A_2 : i32
    %sign3A_4 = arith.extui %sign3A_3 : i1 to i32
    %sign3A_5 = arith.subi %sign3A_1, %sign3A_4 : i32
    %sign3A_6 = arith.constant 0 : i32
    %sign3A_7 = arith.cmpi sgt, %jit3A, %sign3A_6 : i32
    %sign3A_8 = arith.extui %sign3A_7 : i1 to i32
    %sign3A_9 = arith.constant 0 : i32
    %sign3A_10 = arith.cmpi slt, %jit3A, %sign3A_9 : i32
    %sign3A_11 = arith.extui %sign3A_10 : i1 to i32
    %sign3A_12 = arith.subi %sign3A_8, %sign3A_11 : i32
    %ne3A = arith.cmpi ne, %sign3A_5, %sign3A_12 : i32
    %rem3A = arith.remsi %arg0, %jit3A : i32
    %ne3A_13 = arith.constant 0 : i32
    %ne3A_14 = arith.cmpi ne, %rem3A, %ne3A_13 : i32
    %and3A = arith.andi %ne3A, %ne3A_14 : i1
    %sub3A = arith.constant 1 : i32
    %sub3A_15 = arith.subi %div3A, %sub3A : i32
    %select_n3A = arith.select %and3A, %sub3A_15, %div3A : i32
    %jit3A_16 = arith.constant 16 : i32
    %eq3A = arith.constant 0 : i32
    %eq3A_17 = arith.cmpi eq, %jit3A_16, %eq3A : i32
    %jit3A_18 = arith.constant 1 : i32
    %select_n3A_19 = arith.select %eq3A_17, %jit3A_18, %jit3A_16 : i32
    %rem3A_20 = arith.remsi %arg0, %select_n3A_19 : i32
    %ne3A_21 = arith.constant 0 : i32
    %ne3A_22 = arith.cmpi ne, %rem3A_20, %ne3A_21 : i32
    %lt3A = arith.constant 0 : i32
    %lt3A_23 = arith.cmpi slt, %rem3A_20, %lt3A : i32
    %lt3A_24 = arith.constant 0 : i32
    %lt3A_25 = arith.cmpi slt, %select_n3A_19, %lt3A_24 : i32
    %ne3A_26 = arith.xori %lt3A_23, %lt3A_25 : i1
    %and3A_27 = arith.andi %ne3A_26, %ne3A_22 : i1
    %add3A = arith.addi %rem3A_20, %select_n3A_19 : i32
    %select_n3A_28 = arith.select %and3A_27, %add3A, %rem3A_20 : i32
    %jit3A_29 = arith.constant 2 : i32
    %div3A_30 = arith.divsi %select_n3A_28, %jit3A_29 : i32
    %sign3A_31 = arith.constant 0 : i32
    %sign3A_32 = arith.cmpi sgt, %select_n3A_28, %sign3A_31 : i32
    %sign3A_33 = arith.extui %sign3A_32 : i1 to i32
    %sign3A_34 = arith.constant 0 : i32
    %sign3A_35 = arith.cmpi slt, %select_n3A_28, %sign3A_34 : i32
    %sign3A_36 = arith.extui %sign3A_35 : i1 to i32
    %sign3A_37 = arith.subi %sign3A_33, %sign3A_36 : i32
    %sign3A_38 = arith.constant 0 : i32
    %sign3A_39 = arith.cmpi sgt, %jit3A_29, %sign3A_38 : i32
    %sign3A_40 = arith.extui %sign3A_39 : i1 to i32
    %sign3A_41 = arith.constant 0 : i32
    %sign3A_42 = arith.cmpi slt, %jit3A_29, %sign3A_41 : i32
    %sign3A_43 = arith.extui %sign3A_42 : i1 to i32
    %sign3A_44 = arith.subi %sign3A_40, %sign3A_43 : i32
    %ne3A_45 = arith.cmpi ne, %sign3A_37, %sign3A_44 : i32
    %rem3A_46 = arith.remsi %select_n3A_28, %jit3A_29 : i32
    %ne3A_47 = arith.constant 0 : i32
    %ne3A_48 = arith.cmpi ne, %rem3A_46, %ne3A_47 : i32
    %and3A_49 = arith.andi %ne3A_45, %ne3A_48 : i1
    %sub3A_50 = arith.constant 1 : i32
    %sub3A_51 = arith.subi %div3A_30, %sub3A_50 : i32
    %select_n3A_52 = arith.select %and3A_49, %sub3A_51, %div3A_30 : i32
    %c0_i32 = arith.constant 0 : i32
    %c0_i32_53 = arith.constant 0 : i32
    return %select_n3A, %c0_i32, %select_n3A_52 : i32, i32, i32
  }
  func.func @transform_1(%arg0: i32) -> (i32, i32, i32) {
    %jit3A = arith.constant 16 : i32
    %div3A = arith.divsi %arg0, %jit3A : i32
    %sign3A = arith.constant 0 : i32
    %sign3A_0 = arith.cmpi sgt, %arg0, %sign3A : i32
    %sign3A_1 = arith.extui %sign3A_0 : i1 to i32
    %sign3A_2 = arith.constant 0 : i32
    %sign3A_3 = arith.cmpi slt, %arg0, %sign3A_2 : i32
    %sign3A_4 = arith.extui %sign3A_3 : i1 to i32
    %sign3A_5 = arith.subi %sign3A_1, %sign3A_4 : i32
    %sign3A_6 = arith.constant 0 : i32
    %sign3A_7 = arith.cmpi sgt, %jit3A, %sign3A_6 : i32
    %sign3A_8 = arith.extui %sign3A_7 : i1 to i32
    %sign3A_9 = arith.constant 0 : i32
    %sign3A_10 = arith.cmpi slt, %jit3A, %sign3A_9 : i32
    %sign3A_11 = arith.extui %sign3A_10 : i1 to i32
    %sign3A_12 = arith.subi %sign3A_8, %sign3A_11 : i32
    %ne3A = arith.cmpi ne, %sign3A_5, %sign3A_12 : i32
    %rem3A = arith.remsi %arg0, %jit3A : i32
    %ne3A_13 = arith.constant 0 : i32
    %ne3A_14 = arith.cmpi ne, %rem3A, %ne3A_13 : i32
    %and3A = arith.andi %ne3A, %ne3A_14 : i1
    %sub3A = arith.constant 1 : i32
    %sub3A_15 = arith.subi %div3A, %sub3A : i32
    %select_n3A = arith.select %and3A, %sub3A_15, %div3A : i32
    %jit3A_16 = arith.constant 16 : i32
    %eq3A = arith.constant 0 : i32
    %eq3A_17 = arith.cmpi eq, %jit3A_16, %eq3A : i32
    %jit3A_18 = arith.constant 1 : i32
    %select_n3A_19 = arith.select %eq3A_17, %jit3A_18, %jit3A_16 : i32
    %rem3A_20 = arith.remsi %arg0, %select_n3A_19 : i32
    %ne3A_21 = arith.constant 0 : i32
    %ne3A_22 = arith.cmpi ne, %rem3A_20, %ne3A_21 : i32
    %lt3A = arith.constant 0 : i32
    %lt3A_23 = arith.cmpi slt, %rem3A_20, %lt3A : i32
    %lt3A_24 = arith.constant 0 : i32
    %lt3A_25 = arith.cmpi slt, %select_n3A_19, %lt3A_24 : i32
    %ne3A_26 = arith.xori %lt3A_23, %lt3A_25 : i1
    %and3A_27 = arith.andi %ne3A_26, %ne3A_22 : i1
    %add3A = arith.addi %rem3A_20, %select_n3A_19 : i32
    %select_n3A_28 = arith.select %and3A_27, %add3A, %rem3A_20 : i32
    %jit3A_29 = arith.constant 2 : i32
    %div3A_30 = arith.divsi %select_n3A_28, %jit3A_29 : i32
    %sign3A_31 = arith.constant 0 : i32
    %sign3A_32 = arith.cmpi sgt, %select_n3A_28, %sign3A_31 : i32
    %sign3A_33 = arith.extui %sign3A_32 : i1 to i32
    %sign3A_34 = arith.constant 0 : i32
    %sign3A_35 = arith.cmpi slt, %select_n3A_28, %sign3A_34 : i32
    %sign3A_36 = arith.extui %sign3A_35 : i1 to i32
    %sign3A_37 = arith.subi %sign3A_33, %sign3A_36 : i32
    %sign3A_38 = arith.constant 0 : i32
    %sign3A_39 = arith.cmpi sgt, %jit3A_29, %sign3A_38 : i32
    %sign3A_40 = arith.extui %sign3A_39 : i1 to i32
    %sign3A_41 = arith.constant 0 : i32
    %sign3A_42 = arith.cmpi slt, %jit3A_29, %sign3A_41 : i32
    %sign3A_43 = arith.extui %sign3A_42 : i1 to i32
    %sign3A_44 = arith.subi %sign3A_40, %sign3A_43 : i32
    %ne3A_45 = arith.cmpi ne, %sign3A_37, %sign3A_44 : i32
    %rem3A_46 = arith.remsi %select_n3A_28, %jit3A_29 : i32
    %ne3A_47 = arith.constant 0 : i32
    %ne3A_48 = arith.cmpi ne, %rem3A_46, %ne3A_47 : i32
    %and3A_49 = arith.andi %ne3A_45, %ne3A_48 : i1
    %sub3A_50 = arith.constant 1 : i32
    %sub3A_51 = arith.subi %div3A_30, %sub3A_50 : i32
    %select_n3A_52 = arith.select %and3A_49, %sub3A_51, %div3A_30 : i32
    %c0_i32 = arith.constant 0 : i32
    %c0_i32_53 = arith.constant 0 : i32
    return %select_n3A, %c0_i32, %select_n3A_52 : i32, i32, i32
  }
  func.func @transform_2(%arg0: i32) -> (i32, i32, i32) {
    %jit3A = arith.constant 16 : i32
    %div3A = arith.divsi %arg0, %jit3A : i32
    %sign3A = arith.constant 0 : i32
    %sign3A_0 = arith.cmpi sgt, %arg0, %sign3A : i32
    %sign3A_1 = arith.extui %sign3A_0 : i1 to i32
    %sign3A_2 = arith.constant 0 : i32
    %sign3A_3 = arith.cmpi slt, %arg0, %sign3A_2 : i32
    %sign3A_4 = arith.extui %sign3A_3 : i1 to i32
    %sign3A_5 = arith.subi %sign3A_1, %sign3A_4 : i32
    %sign3A_6 = arith.constant 0 : i32
    %sign3A_7 = arith.cmpi sgt, %jit3A, %sign3A_6 : i32
    %sign3A_8 = arith.extui %sign3A_7 : i1 to i32
    %sign3A_9 = arith.constant 0 : i32
    %sign3A_10 = arith.cmpi slt, %jit3A, %sign3A_9 : i32
    %sign3A_11 = arith.extui %sign3A_10 : i1 to i32
    %sign3A_12 = arith.subi %sign3A_8, %sign3A_11 : i32
    %ne3A = arith.cmpi ne, %sign3A_5, %sign3A_12 : i32
    %rem3A = arith.remsi %arg0, %jit3A : i32
    %ne3A_13 = arith.constant 0 : i32
    %ne3A_14 = arith.cmpi ne, %rem3A, %ne3A_13 : i32
    %and3A = arith.andi %ne3A, %ne3A_14 : i1
    %sub3A = arith.constant 1 : i32
    %sub3A_15 = arith.subi %div3A, %sub3A : i32
    %select_n3A = arith.select %and3A, %sub3A_15, %div3A : i32
    %jit3A_16 = arith.constant 16 : i32
    %eq3A = arith.constant 0 : i32
    %eq3A_17 = arith.cmpi eq, %jit3A_16, %eq3A : i32
    %jit3A_18 = arith.constant 1 : i32
    %select_n3A_19 = arith.select %eq3A_17, %jit3A_18, %jit3A_16 : i32
    %rem3A_20 = arith.remsi %arg0, %select_n3A_19 : i32
    %ne3A_21 = arith.constant 0 : i32
    %ne3A_22 = arith.cmpi ne, %rem3A_20, %ne3A_21 : i32
    %lt3A = arith.constant 0 : i32
    %lt3A_23 = arith.cmpi slt, %rem3A_20, %lt3A : i32
    %lt3A_24 = arith.constant 0 : i32
    %lt3A_25 = arith.cmpi slt, %select_n3A_19, %lt3A_24 : i32
    %ne3A_26 = arith.xori %lt3A_23, %lt3A_25 : i1
    %and3A_27 = arith.andi %ne3A_26, %ne3A_22 : i1
    %add3A = arith.addi %rem3A_20, %select_n3A_19 : i32
    %select_n3A_28 = arith.select %and3A_27, %add3A, %rem3A_20 : i32
    %jit3A_29 = arith.constant 2 : i32
    %div3A_30 = arith.divsi %select_n3A_28, %jit3A_29 : i32
    %sign3A_31 = arith.constant 0 : i32
    %sign3A_32 = arith.cmpi sgt, %select_n3A_28, %sign3A_31 : i32
    %sign3A_33 = arith.extui %sign3A_32 : i1 to i32
    %sign3A_34 = arith.constant 0 : i32
    %sign3A_35 = arith.cmpi slt, %select_n3A_28, %sign3A_34 : i32
    %sign3A_36 = arith.extui %sign3A_35 : i1 to i32
    %sign3A_37 = arith.subi %sign3A_33, %sign3A_36 : i32
    %sign3A_38 = arith.constant 0 : i32
    %sign3A_39 = arith.cmpi sgt, %jit3A_29, %sign3A_38 : i32
    %sign3A_40 = arith.extui %sign3A_39 : i1 to i32
    %sign3A_41 = arith.constant 0 : i32
    %sign3A_42 = arith.cmpi slt, %jit3A_29, %sign3A_41 : i32
    %sign3A_43 = arith.extui %sign3A_42 : i1 to i32
    %sign3A_44 = arith.subi %sign3A_40, %sign3A_43 : i32
    %ne3A_45 = arith.cmpi ne, %sign3A_37, %sign3A_44 : i32
    %rem3A_46 = arith.remsi %select_n3A_28, %jit3A_29 : i32
    %ne3A_47 = arith.constant 0 : i32
    %ne3A_48 = arith.cmpi ne, %rem3A_46, %ne3A_47 : i32
    %and3A_49 = arith.andi %ne3A_45, %ne3A_48 : i1
    %sub3A_50 = arith.constant 1 : i32
    %sub3A_51 = arith.subi %div3A_30, %sub3A_50 : i32
    %select_n3A_52 = arith.select %and3A_49, %sub3A_51, %div3A_30 : i32
    %c0_i32 = arith.constant 0 : i32
    %c0_i32_53 = arith.constant 0 : i32
    return %select_n3A, %c0_i32, %select_n3A_52 : i32, i32, i32
  }
  func.func @transform_3(%arg0: i32) -> (i32, i32, i32) {
    %c0_i32 = arith.constant 0 : i32
    %c0_i32_0 = arith.constant 0 : i32
    %c0_i32_1 = arith.constant 0 : i32
    return %arg0, %c0_i32, %c0_i32_0 : i32, i32, i32
  }
  func.func @transform_4(%arg0: i32) -> (i32, i32, i32) {
    %c0_i32 = arith.constant 0 : i32
    %c0_i32_0 = arith.constant 0 : i32
    %c0_i32_1 = arith.constant 0 : i32
    return %arg0, %c0_i32, %c0_i32_0 : i32, i32, i32
  }
}

module attributes {stable_mosaic.version = 14 : i64} {
  func.func @_out_body(%arg0: i32, %arg1: memref<512x1024xf32, #tpu.memory_space<vmem>>, %arg2: memref<1024x1024xbf16, #tpu.memory_space<vmem>>, %arg3: memref<1x1024xf32, #tpu.memory_space<vmem>>, %arg4: memref<512x1024xf32, #tpu.memory_space<vmem>>) attributes {dimension_semantics = [#tpu.dimension_semantics<arbitrary>], iteration_bounds = array<i64: 8>, scalar_prefetch = 0 : i64, scratch_operands = 0 : i64, tpu.core_type = #tpu.core_type<tc>, window_params = [{transform_indices = @transform_0, window_bounds = array<i64: 512, 1024>}, {pipeline_mode = #tpu.pipeline_mode<synchronous>, transform_indices = @transform_1, window_bounds = array<i64: 1024, 1024>}, {pipeline_mode = #tpu.pipeline_mode<synchronous>, transform_indices = @transform_2, window_bounds = array<i64: 1, 1024>}, {transform_indices = @transform_3, window_bounds = array<i64: 512, 1024>}]} {
    %get3A = arith.constant 0 : index
    %get3A_0 = arith.constant 0 : index
    %get3A_1 = vector.load %arg1[%get3A, %get3A_0] : memref<512x1024xf32, #tpu.memory_space<vmem>>, vector<512x1024xf32>
    %convert_element_type3A = arith.truncf %get3A_1 : vector<512x1024xf32> to vector<512x1024xbf16>
    %get3A_2 = arith.constant 0 : index
    %get3A_3 = arith.constant 0 : index
    %get3A_4 = vector.load %arg2[%get3A_2, %get3A_3] : memref<1024x1024xbf16, #tpu.memory_space<vmem>>, vector<1024x1024xbf16>
    %dot_general3A = arith.constant dense<0.000000e+00> : vector<512x1024xf32>
    %dot_general3A_5 = tpu.matmul %convert_element_type3A, %get3A_4, %dot_general3A {dimension_numbers = #tpu.dot_dimension_numbers<[1], [0], [0], [1], [0, 0, 1, 1], [], []>, transpose_lhs_hint = false} : vector<512x1024xbf16>, vector<1024x1024xbf16>, vector<512x1024xf32> -> vector<512x1024xf32>
    %get3A_6 = arith.constant 0 : index
    %get3A_7 = arith.constant 0 : index
    %get3A_8 = vector.load %arg3[%get3A_6, %get3A_7] : memref<1x1024xf32, #tpu.memory_space<vmem>>, vector<1x1024xf32>
    %add3A = vector.broadcast %get3A_8 : vector<1x1024xf32> to vector<512x1024xf32>
    %add3A_9 = arith.addf %dot_general3A_5, %add3A : vector<512x1024xf32>
    %swap3A = arith.constant 0 : index
    %swap3A_10 = arith.constant 0 : index
    %swap3A_11 = vector.load %arg4[%swap3A, %swap3A_10] : memref<512x1024xf32, #tpu.memory_space<vmem>>, vector<512x1024xf32>
    tpu.vector_store %arg4[%swap3A, %swap3A_10], %add3A_9 {strides = array<i32>} : memref<512x1024xf32, #tpu.memory_space<vmem>>, vector<512x1024xf32>,
    return
  }
  func.func @transform_0(%arg0: i32) -> (i32, i32) {
    %c0_i32 = arith.constant 0 : i32
    %c0_i32_0 = arith.constant 0 : i32
    return %arg0, %c0_i32 : i32, i32
  }
  func.func @transform_1(%arg0: i32) -> (i32, i32) {
    %c0_i32 = arith.constant 0 : i32
    %c0_i32_0 = arith.constant 0 : i32
    %c0_i32_1 = arith.constant 0 : i32
    return %c0_i32, %c0_i32_0 : i32, i32
  }
  func.func @transform_2(%arg0: i32) -> (i32, i32) {
    %c0_i32 = arith.constant 0 : i32
    %c0_i32_0 = arith.constant 0 : i32
    %c0_i32_1 = arith.constant 0 : i32
    return %c0_i32, %c0_i32_0 : i32, i32
  }
  func.func @transform_3(%arg0: i32) -> (i32, i32) {
    %c0_i32 = arith.constant 0 : i32
    %c0_i32_0 = arith.constant 0 : i32
    return %arg0, %c0_i32 : i32, i32
  }
}

</mosaic_0001>

<sc_bundles>
// kernel: kernel.7.cloned.1.call-start
scs
__scs_entry_jumppad:
0x0: {  	(pc) =	sbr.rel $0x88, $3  }
0x1: {  	(tag) =	ssettag $0x0;
	lr =	simm.s32 $0x1  }
0x2: {  	[smem:$0x3F96] =	sst lr;
	_ =	strace $0xD0000000  }
0x3: {  	_ = 	snop  }
0x4: {  	_ = 	snop  }
0x5: {  	_ = 	snop  }
0x6: {  	_ = 	snop  }
0x7: {  	_ = 	snop  }
__scs_overlays_trampoline_lowered:
0x8: {  	[smem:$0x3FA5] =	sst s0  }
0x9: {  	[smem:$0x3FA6] =	sst s1  }
0xa: {  	[smem:$0x3FA7] =	sst s2  }
0xb: {  	[smem:$0x3FA8] =	sst s3  }
0xc: {  	[smem:$0x3FA9] =	sst s4  }
0xd: {  	[smem:$0x3FAA] =	sst s5  }
0xe: {  	[smem:$0x3FAB] =	sst s6  }
0xf: {  	[smem:$0x3FAC] =	sst s7  }
0x10: {  	[smem:$0x3FAD] =	sst s8  }
0x11: {  	[smem:$0x3FAE] =	sst s9;
	s0 =	simm.s32 @!p0 $0x0  }
0x12: {  	s1 =	sld [smem:$0x3F94];
	s0 =	simm.s32 @p0 $0x1  }
0x13: {  	[smem:$0x3FAF] =	sst s0;
	s0 =	simm.s32 @!p1 $0x0  }
0x14: {  	s2 =	sld [smem:$0x3F93];
	s0 =	simm.s32 @p1 $0x1  }
0x15: {  	[smem:$0x3FB0] =	sst s0;
	s0 =	simm.s32 @!p2 $0x0  }
0x16: {  	s3 =	sld [smem:$0x3FDB];
	s0 =	simm.s32 @p2 $0x1  }
0x17: {  	s4 =	simm.s32 $0x1BF5;
	[smem:$0x3FB2] =	sst s0  }
0x18: {  	s0 =	sld [smem:$0x3F95];
	_ =	swait.ge [sflag:s4], $0x0  }
0x19: {  	s7 =	sld [smem:$0x3F96]  }
0x1a: {  	s8 =	sadd.s32 $0xFFFFE003, lr  }
0x1b: {  	s9 =	sadd.s32 $0xFFFFFEF7, lr;
	s5 =	simm.s32 $0xFFFFFFFF;
	p2 =	slt.u32 s8, $0xFFFFF086  }
0x1c: {  	p1 =	slt.u32 s9, $0xF7A;
	s5 =	simm.s32 @!p2 $0x0  }
0x1d: {  	s5 =	simm.s32 @p1 $0x1;
	p0 =	seq.s32 s7, s2  }
0x1e: {  	s7 =	smul.u32 @!p0 $0xF7A, s2;
	p2 =	seq.s32 @!p0 s5, $0x0  }
0x1f: {  	s9 =	smul.u32 $0xF7A, s1;
	s8 =	simm.s32 @!p0 $0x1BF5;
	p2 =	por !p2, p0  }
0x20: {  	[sflag:s8] =	ssyncset.s32 @!p0 $0xFFFFF086;
	s6 =	sadd.s32 @!p0 s3, s7;
	s7 =	simm.s32 @!p0 $0x108  }
0x21: {  	s3 =	sadd.s32 s3, s9;
	s6 =	sadd.s32 @!p0 $0x88, s6;
	s7 =	simm.s32 @p2 $0x1082  }
0x22: {  	[simem:s7], [sflag:s8] =	dma.local @!p0 [hbm:s6], $0xF7A  }
0x23: {  	s9 =	sor.u32 $0xD0000000, s2;
	s6 =	simm.s32 $0x108;
	_ =	swait.ge @!p0 [sflag:s8], $0x0  }
0x24: {  	s3 =	sadd.s32 $0x88, s3;
	s6 =	simm.s32 @!p1 $0x1082;
	[sflag:s4] =	ssyncset.s32 $0xFFFFF086  }
0x25: {  	[simem:s6], [sflag:s4] =	dma.local [hbm:s3], $0xF7A  }
0x26: {  	[smem:$0x3F96] =	sst s1;
	(tag) =	ssettag s2;
	_ =	strace s9  }
0x27: {  	s1 =	sld [smem:$0x3FA6]  }
0x28: {  	s2 =	sld [smem:$0x3FA7]  }
0x29: {  	s4 =	sld [smem:$0x3FA9]  }
0x2a: {  	p0 =	seq.s32 s5, $0x0;
	s5 =	sld [smem:$0x3FAA]  }
0x2b: {  	s6 =	sld [smem:$0x3FAB]  }
0x2c: {  	s7 =	sld [smem:$0x3FAC]  }
0x2d: {  	s3 =	simm.s32 $0x108;
	s8 =	sld [smem:$0x3FAD]  }
0x2e: {  	s3 =	simm.s32 @!p0 $0x1082;
	s9 =	sld [smem:$0x3FAE]  }
0x2f: {  	lr =	sadd.s32 s0, s3;
	s0 =	sld [smem:$0x3FA5]  }
0x30: {  	s3 =	sld [smem:$0x3FA8]  }
0x31: {  	[smem:$0x3FB1] =	sst s10  }
0x32: {  	s10 =	sld [smem:$0x3FAF];
	_ =	sdelay $0x3  }
0x33: {  	p0 =	seq.s32 s10, $0x1;
	s10 =	sld [smem:$0x3FB1];
	_ =	sdelay $0x3  }
0x34: {  	[smem:$0x3FB1] =	sst s10  }
0x35: {  	s10 =	sld [smem:$0x3FB0];
	_ =	sdelay $0x3  }
0x36: {  	p1 =	seq.s32 s10, $0x1;
	s10 =	sld [smem:$0x3FB1];
	_ =	sdelay $0x3  }
0x37: {  	[smem:$0x3FB1] =	sst s10  }
0x38: {  	s10 =	sld [smem:$0x3FB2]  }
0x39: {  	_ = 	snop;
	(pc) =	sbr.ind lr, $3  }
0x3a: {  	_ = 	snop  }
0x3b: {  	_ = 	snop  }
0x3c: {  	p2 =	seq.s32 s10, $0x1;
	s10 =	sld [smem:$0x3FB1]  }
0x3d: {  	_ =	shalt  }
0x3e: {  	_ =	shalt  }
0x3f: {  	_ =	shalt  }
0x40: {  	_ =	shalt  }
0x41: {  	_ =	shalt  }
0x42: {  	_ =	shalt  }
0x43: {  	_ =	shalt  }
0x44: {  	_ =	shalt  }
0x45: {  	_ =	shalt  }
0x46: {  	_ =	shalt  }
0x47: {  	_ =	shalt  }
0x48: {  	_ =	shalt  }
0x49: {  	_ =	shalt  }
0x4a: {  	_ =	shalt  }
0x4b: {  	_ =	shalt  }
0x4c: {  	_ =	shalt  }
0x4d: {  	_ =	shalt  }
0x4e: {  	_ =	shalt  }
0x4f: {  	_ =	shalt  }
0x50: {  	_ =	shalt  }
0x51: {  	_ =	shalt  }
0x52: {  	_ =	shalt  }
0x53: {  	_ =	shalt  }
0x54: {  	_ =	shalt  }
0x55: {  	_ =	shalt  }
0x56: {  	_ =	shalt  }
0x57: {  	_ =	shalt  }
0x58: {  	_ =	shalt  }
0x59: {  	_ =	shalt  }
0x5a: {  	_ =	shalt  }
0x5b: {  	_ =	shalt  }
0x5c: {  	_ =	shalt  }
0x5d: {  	_ =	shalt  }
0x5e: {  	_ =	shalt  }
0x5f: {  	_ =	shalt  }
0x60: {  	_ =	shalt  }
0x61: {  	_ =	shalt  }
0x62: {  	_ =	shalt  }
0x63: {  	_ =	shalt  }
0x64: {  	_ =	shalt  }
0x65: {  	_ =	shalt  }
0x66: {  	_ =	shalt  }
0x67: {  	_ =	shalt  }
0x68: {  	_ =	shalt  }
0x69: {  	_ =	shalt  }
0x6a: {  	_ =	shalt  }
0x6b: {  	_ =	shalt  }
0x6c: {  	_ =	shalt  }
0x6d: {  	_ =	shalt  }
0x6e: {  	_ =	shalt  }
0x6f: {  	_ =	shalt  }
0x70: {  	_ =	shalt  }
0x71: {  	_ =	shalt  }
0x72: {  	_ =	shalt  }
0x73: {  	_ =	shalt  }
0x74: {  	_ =	shalt  }
0x75: {  	_ =	shalt  }
0x76: {  	_ =	shalt  }
0x77: {  	_ =	shalt  }
0x78: {  	_ =	shalt  }
0x79: {  	_ =	shalt  }
0x7a: {  	_ =	shalt  }
0x7b: {  	_ =	shalt  }
0x7c: {  	_ =	shalt  }
0x7d: {  	_ =	shalt  }
0x7e: {  	_ =	shalt  }
0x7f: {  	_ =	shalt  }
0x80: {  	_ =	shalt  }
0x81: {  	_ =	shalt  }
0x82: {  	_ =	shalt  }
0x83: {  	_ =	shalt  }
0x84: {  	_ =	shalt  }
0x85: {  	_ =	shalt  }
0x86: {  	_ =	shalt  }
0x87: {  	_ =	shalt  }
.Lfunc_end0:
.L_simem_size_0:
called_computation_lowered:
.L_overlay_start_0:
0x88: {  	s2 =	sld [smem:$0x3FD9]  }
0x89: {  	s3 =	sld [smem:$0x3FFE];
	_ =	sdelay $0x1  }
0x8a: {  	s1 =	srdreg.scid  }
0x8b: {  	s0 =	sand.u32 $0x1, s1  }
0x8c: {  	s16 =	sshll.u32 s0, $0xA;
	s2 =	sadd.s32 s3, s2  }
0x8d: {  	s2 =	sadd.s32 s2, s16  }
0x8e: {  	[smem:$0x3FBD] =	sst s2  }
0x8f: {  	_ = 	snop  }
0x90: {  	(tm) =	ssettm $0x1  }
0x91: {  	s17 =	sld [smem:$0x3FFB];
	_ =	sdelay $0x3  }
0x92: {  	_ =	strace s17  }
0x93: {  	s2 =	sld [smem:$0x3FFC];
	_ =	sdelay $0x3  }
0x94: {  	_ =	strace s2  }
0x95: {  	s2 =	sld [smem:$0x3FFD];
	_ =	sdelay $0x3  }
0x96: {  	_ =	strace s2  }
0x97: {  	_ =	strace $0x8FFFFFFF  }
0x98: {  	s18 =	sld [smem:$0x3FDB];
	_ =	sdelay $0x1  }
0x99: {  	s19 =	simm.s32 $_scs_section_size  }
0x9a: {  	s4 =	simm.s32 $_size__tile_overlayer_lowered;
	s5 =	simm.s32 $_tile_overlayer_lowered  }
0x9b: {  	s22 =	simm.s32 $0x1BFF;
	s21 =	sshll.u32 s5, $0x1;
	s2 =	sadd.s32 s19, s18  }
0x9c: {  	s6 =	simm.s32 $0x0;
	s20 =	sshll.u32 s4, $0x1;
	s4 =	sadd.s32 s21, s2  }
0x9d: {  	[timem:s6], [sflag:s22] =	dma.local [hbm:s4], s20  }
0x9e: {  	_ =	swait.ge [sflag:s22], s20  }
0x9f: {  	s3 =	ssub.s32 $0x0, s20;
	[sflag:s22] =	ssyncset.done $0x0  }
0xa0: {  	[sflag:s22] =	ssyncadd.s32 s3;
	_ =	sdelay $0x1  }
0xa1: {  	s23 =	simm.s32 $0x1B8B  }
0xa2: {  	_ =	swait.ge [sflag:s23], $0x1  }
0xa3: {  	[sflag:s23] =	ssyncset.done $0x0  }
0xa4: {  	s25 =	simm.s32 $0x1B8E;
	s24 =	sld [smem:$0x3FFE];
	[sflag:s23] =	ssyncadd.s32 $0xFFFFFFFF  }
0xa5: {  	s26 =	simm.s32 $execute0_lowered;
	[smem:$0x3FD2] =	sst s25  }
0xa6: {  	s4 =	sshll.u32 s26, $0x1;
	_ =	strace $0x80000046;
	[dreg:$0x1] =	wrdreg $0xFFFFFFFF  }
0xa7: {  	s28 =	simm.s32 $_size_execute0_lowered;
	s2 =	sadd.s32 s2, s4;
	[dreg:$0x0] =	wrdreg $0x0  }
0xa8: {  	s4 =	sshll.u32 s28, $0x1;
	[dreg:$0x2] =	wrdreg s2  }
0xa9: {  	[dreg:$0x3] =	wrdreg s4  }
0xaa: {  	[dreg:$0x4] =	wrdreg $0xC0  }
0xab: {  	_ =	task [dreg:s6], $0x5FFFF  }
0xac: {  	[dreg:$0x1] =	wrdreg $0xFFFFFFFF  }
0xad: {  	[dreg:$0x0] =	wrdreg $0x60  }
0xae: {  	[dreg:$0x2] =	wrdreg s24  }
0xaf: {  	[dreg:$0x3] =	wrdreg $0x9  }
0xb0: {  	_ =	task.clear_ibuf [dreg:s6], $0x4FFFF;
	_ =	strace $0x90000046  }
0xb1: {  	s29 =	simm.s32 $0x9;
	_ =	strace $0x80000048  }
0xb2: {  	_ =	swait.ge [sflag:s29], $0x1  }
0xb3: {  	[sflag:s29] =	ssyncadd.s32 $0xFFFFFFFF  }
0xb4: {  	_ =	strace $0x90000048  }
0xb5: {  	_ =	sfence  }
0xb6: {  	s30 =	sld [smem:$0x0];
	_ =	sdelay $0x2  }
0xb7: {  	s31 =	sshll.u32 s1, $0xD;
	s1 =	sshrl.u32 s1, $0x2  }
0xb8: {  	s3 =	sand.u32 $0x4000, s31;
	s1 =	sadd.s32 s1, s30  }
0xb9: {  	s0 =	sor.u32 s3, s0;
	s1 =	sshll.u32 s1, $0x11  }
0xba: {  	s0 =	sor.u32 s1, s0  }
0xbb: {  	s0 =	sadd.s32 $0x8F2B, s0  }
0xbc: {  	[sflag:s0] =	ssyncadd.remote.s32 $0x1  }
0xbd: {  	_ =	sfence.sel $0xFFFF  }
0xbe: {  	[dreg:$0x0] =	wrdreg $0xFFFFFFFF;
	(pc) =	sbr.abs _section_cstart, $3  }
0xbf: {  	[dreg:$0x1] =	wrdreg $0xFFFFFFFF  }
0xc0: {  	_ =	task.clear_ibuf [dreg:s6], $0x2FFFF;
	_ =	strace $0x9FFFFFFF  }
0xc1: {  	(tm) =	ssettm $0x7FFFFFFF  }
tec
execute0_lowered:
.L_overlay_start_1:
0x0: {  	(tag) =	ssettag $0x1  }
0x1: {  	s3 =	rddreg [dreg:$0x0]  }
0x2: {  	s0 =	rddreg [dreg:$0x1]  }
0x3: {  	s2 =	simm.s32 $0x0;
	s4 =	srdreg.scid;
	s1 =	stileid.u32  }
0x4: {  	s8 =	simm.s32 $0x1;
	s9 =	simm.s32 $0x1000;
	s10 =	simm.s32 $0x0  }
0x5: {  	[smem:$0x7FF] =	sst s2;
	s4 =	sand.u32 $0x1, s4;
	s5 =	sshll.u32 s1, $0x8  }
0x6: {  	s6 =	sshrl.u32 s1, $0x2;
	s7 =	sshll.u32 s4, $0x7;
	s5 =	sand.u32 $0x300, s5  }
0x7: {  	s28 =	sshll.u32 s6, $0xE;
	s6 =	sshll.u32 s6, $0xC;
	s5 =	sor.u32 s7, s5  }
0x8: {  	_ =	strace $0x80000047;
	s4 =	ssub.s32 $0x2, s4;
	s7 =	sor.u32 s28, s5  }
0x9: {  	s30 =	sshrl.u32 s4, $0x1;
	s5 =	sor.u32 s6, s5;
	s29 =	sshrl.u32 s7, $0x3  }
0xa: {  	s31 =	ssub.s32 s4, s30;
	s5 =	sshrl.u32 s5, $0x3;
	s6 =	sadd.s32 s29, s3  }
0xb: {  	s7 =	simm.s32 $0x400;
	s5 =	sadd.s32 s5, s3;
	s3 =	sadd.s32 $0x101C00, s6  }
0xc: {  	v0 =	vimm.s32 $0x0;
	v1 =	vimm.s32 $0x1;
	v2 =	vlaneseq.u32;
	s4 =	sadd.s32 $0x103C00, s5;
	s5 =	smax.u32 s31, $0x1;
	s6 =	simm.s32 $0x80  }
.LBB2_1:
0xd: {  	[tilespmem:s2], [sflag:$0x1] =	stream.strided.gather [hbm4b:s3+s6], $0x800, s7, s6, $0x38;
	[tilespmem:$0x1280] =	vst v63  }
0xe: {  	_ =	swait.ge [sflag:s8], $0x800  }
0xf: {  	[sflag:s8] =	ssyncset.done $0x0  }
0x10: {  	s12 =	simm.s32 $0x40;
	[sflag:s8] =	ssyncadd.s32 $0xFFFFF800  }
0x11: {  	v3 =	vld [tilespmem:s12+$0x30]  }
0x12: {  	v6 =	vld [tilespmem:s12+$0xFFFFFFD0]  }
0x13: {  	v8 =	vld [tilespmem:s12+$0xFFFFFFE0]  }
0x14: {  	v7 =	vld [tilespmem:s12+$0xFFFFFFF0]  }
0x15: {  	v5 =	vld [tilespmem:s12+$0x0]  }
0x16: {  	v4 =	vld [tilespmem:s12+$0x10];
	vm0 =	vlt.s32 v3, $0x0;
	v9 =	vxor.u32 $0x7FFFFFFF, v3  }
0x17: {  	s11 =	simm.s32 $0x840;
	vm1 =	vlt.s32 v6, $0x0;
	v10 =	vxor.u32 $0x7FFFFFFF, v6;
	v9 =	vsel vm0, v9, v3;
	v3 =	vld [tilespmem:s12+$0x20]  }
0x18: {  	v11 =	vxor.u32 $0x7FFFFFFF, v8;
	v10 =	vsel vm1, v10, v6;
	vm0 =	vlt.s32 v8, $0x0;
	v6 =	vld [tilespmem:s12+$0xFFFFFFC0];
	[tilespmem:s11+$0x30] =	vst v9  }
0x19: {  	s13 =	simm.s32 $0x0;
	s14 =	simm.s32 $0xC0;
	s12 =	simm.s32 $0x840;
	[tilespmem:s11+$0xFFFFFFD0] =	vst v10;
	v9 =	vsel vm0, v11, v8;
	vm0 =	vlt.s32 v7, $0x0;
	v10 =	vxor.u32 $0x7FFFFFFF, v7  }
.LBB2_2:
0x1a: {  	v11 =	vld [tilespmem:s14+$0x30];
	s13 =	sadd.s32 $0x8, s13;
	[tilespmem:s12+$0xFFFFFFE0] =	vst v9;
	v7 =	vsel vm0, v10, v7;
	vm0 =	vlt.s32 v5, $0x0;
	v8 =	vxor.u32 $0x7FFFFFFF, v5  }
0x1b: {  	v9 =	vld [tilespmem:s14+$0xFFFFFFD0];
	p0 =	slt.u32 s13, $0x78;
	[tilespmem:s12+$0xFFFFFFF0] =	vst v7;
	v5 =	vsel vm0, v8, v5;
	vm0 =	vlt.s32 v4, $0x0;
	v7 =	vxor.u32 $0x7FFFFFFF, v4  }
0x1c: {  	v10 =	vld [tilespmem:s14+$0xFFFFFFE0];
	[tilespmem:s12+$0x0] =	vst v5;
	v4 =	vsel vm0, v7, v4;
	vm0 =	vlt.s32 v3, $0x0;
	v5 =	vxor.u32 $0x7FFFFFFF, v3  }
0x1d: {  	v7 =	vld [tilespmem:s14+$0xFFFFFFF0];
	vm1 =	vlt.s32 v6, $0x0;
	v8 =	vxor.u32 $0x7FFFFFFF, v6;
	[tilespmem:s12+$0x10] =	vst v4;
	v3 =	vsel vm0, v5, v3  }
.Ltmp0:
0x1e: {  	v5 =	vld [tilespmem:s14+$0x0];
	v6 =	vsel vm1, v8, v6;
	[tilespmem:s12+$0x20] =	vst v3;
	(pc) =	sbr.rel @p0 .LBB2_2-.Ltmp0, $4  }
0x1f: {  	v8 =	vimm.s32 $0x0;
	v4 =	vld [tilespmem:s14+$0x10];
	vm0 =	vlt.s32 v11, $0x0;
	v12 =	vxor.u32 $0x7FFFFFFF, v11;
	[tilespmem:s12+$0xFFFFFFC0] =	vst v6  }
0x20: {  	s12 =	sadd.s32 $0x80, s12;
	vm1 =	vlt.s32 v9, $0x0;
	v13 =	vxor.u32 $0x7FFFFFFF, v9;
	v3 =	vld [tilespmem:s14+$0x20];
	v11 =	vsel vm0, v12, v11  }
0x21: {  	v6 =	vld [tilespmem:s14+$0xFFFFFFC0];
	v9 =	vsel vm1, v13, v9;
	vm0 =	vlt.s32 v10, $0x0;
	v12 =	vxor.u32 $0x7FFFFFFF, v10;
	[tilespmem:s12+$0x30] =	vst v11  }
0x22: {  	s14 =	sadd.s32 $0x80, s14;
	[tilespmem:s12+$0xFFFFFFD0] =	vst v9;
	v9 =	vsel vm0, v12, v10;
	vm0 =	vlt.s32 v7, $0x0;
	v10 =	vxor.u32 $0x7FFFFFFF, v7  }
0x23: {  	[tilespmem:s12+$0xFFFFFFE0] =	vst v9;
	v7 =	vsel vm0, v10, v7;
	vm0 =	vlt.s32 v5, $0x0;
	v9 =	vxor.u32 $0x7FFFFFFF, v5  }
0x24: {  	[tilespmem:s12+$0xFFFFFFF0] =	vst v7;
	v5 =	vsel vm0, v9, v5;
	vm0 =	vlt.s32 v4, $0x0;
	v7 =	vxor.u32 $0x7FFFFFFF, v4  }
0x25: {  	[tilespmem:s12+$0x0] =	vst v5;
	v4 =	vsel vm0, v7, v4;
	vm0 =	vlt.s32 v3, $0x0;
	v5 =	vxor.u32 $0x7FFFFFFF, v3  }
0x26: {  	vm1 =	vlt.s32 v6, $0x0;
	v7 =	vxor.u32 $0x7FFFFFFF, v6;
	[tilespmem:s12+$0x10] =	vst v4;
	v3 =	vsel vm0, v5, v3  }
0x27: {  	v4 =	vsel vm1, v7, v6;
	[tilespmem:s12+$0x20] =	vst v3  }
0x28: {  	[tilespmem:s12+$0xFFFFFFC0] =	vst v4  }
0x29: {  	v4 =	vld [tilespmem:s11+$0xFFFFFFC0]  }
0x2a: {  	v5 =	vld [tilespmem:s11+$0xFFFFFFD0]  }
0x2b: {  	v7 =	vld [tilespmem:s11+$0xFFFFFFE0]  }
0x2c: {  	v6 =	vld [tilespmem:s11+$0xFFFFFFF0]  }
0x2d: {  	v3 =	vld [tilespmem:s11+$0x0]  }
0x2e: {  	vm0 =	vgt.s32 v4, $0xFFFFFFFF;
	v4 =	vld [tilespmem:s11+$0x10]  }
0x2f: {  	v9 =	vsel vm0, $0x1, v0;
	vm0 =	vgt.s32 v5, $0xFFFFFFFF;
	v5 =	vld [tilespmem:s11+$0x20]  }
0x30: {  	s12 =	simm.s32 $0x0;
	v8 =	vadd.s32 v9, v8;
	v9 =	vsel vm0, $0x1, v0;
	vm0 =	vgt.s32 v7, $0xFFFFFFFF;
	v7 =	vld [tilespmem:s11+$0x30];
	s11 =	simm.s32 $0x8C0  }
.LBB2_4:
0x31: {  	v10 =	vld [tilespmem:s11+$0xFFFFFFC0];
	s12 =	sadd.s32 $0x8, s12;
	v8 =	vadd.s32 v9, v8;
	v9 =	vsel vm0, $0x1, v0;
	vm0 =	vgt.s32 v6, $0xFFFFFFFF  }
0x32: {  	v11 =	vld [tilespmem:s11+$0xFFFFFFD0];
	p0 =	slt.u32 s12, $0x78;
	v6 =	vadd.s32 v9, v8;
	v8 =	vsel vm0, $0x1, v0;
	vm0 =	vgt.s32 v3, $0xFFFFFFFF  }
0x33: {  	v12 =	vld [tilespmem:s11+$0xFFFFFFE0];
	v3 =	vadd.s32 v8, v6;
	v8 =	vsel vm0, $0x1, v0;
	vm0 =	vgt.s32 v4, $0xFFFFFFFF  }
.Ltmp1:
0x34: {  	v6 =	vld [tilespmem:s11+$0xFFFFFFF0];
	v4 =	vadd.s32 v8, v3;
	v8 =	vsel vm0, $0x1, v0;
	vm0 =	vgt.s32 v5, $0xFFFFFFFF;
	(pc) =	sbr.rel @p0 .LBB2_4-.Ltmp1, $4  }
0x35: {  	v3 =	vld [tilespmem:s11+$0x0];
	v5 =	vadd.s32 v8, v4;
	v8 =	vsel vm0, $0x1, v0;
	vm0 =	vgt.s32 v7, $0xFFFFFFFF  }
0x36: {  	vm1 =	vgt.s32 v10, $0xFFFFFFFF;
	v4 =	vld [tilespmem:s11+$0x10];
	v7 =	vadd.s32 v8, v5;
	v8 =	vsel vm0, $0x1, v0  }
0x37: {  	v9 =	vsel vm1, $0x1, v0;
	vm0 =	vgt.s32 v11, $0xFFFFFFFF;
	v5 =	vld [tilespmem:s11+$0x20];
	v7 =	vadd.s32 v8, v7  }
0x38: {  	v8 =	vadd.s32 v9, v7;
	v9 =	vsel vm0, $0x1, v0;
	vm0 =	vgt.s32 v12, $0xFFFFFFFF;
	v7 =	vld [tilespmem:s11+$0x30];
	s11 =	sadd.s32 $0x80, s11  }
0x39: {  	v8 =	vadd.s32 v9, v8;
	v60 =	vsel vm0, $0x1, v0;
	vm11 =	vgt.s32 v6, $0xFFFFFFFF  }
0x3a: {  	v61 =	vadd.s32 v60, v8;
	v62 =	vsel vm11, $0x1, v0;
	vm12 =	vgt.s32 v3, $0xFFFFFFFF  }
0x3b: {  	v3 =	vadd.s32 v62, v61;
	v63 =	vsel vm12, $0x1, v0;
	vm13 =	vgt.s32 v4, $0xFFFFFFFF  }
0x3c: {  	v3 =	vadd.s32 v63, v3;
	v4 =	vsel vm13, $0x1, v0;
	vm14 =	vgt.s32 v5, $0xFFFFFFFF  }
0x3d: {  	v3 =	vadd.s32 v4, v3;
	v4 =	vsel vm14, $0x1, v0;
	vm15 =	vgt.s32 v7, $0xFFFFFFFF  }
0x3e: {  	v3 =	vadd.s32 v4, v3;
	v4 =	vsel vm15, $0x1, v0  }
0x3f: {  	v3 =	vadd.s32 v4, v3  }
0x40: {  	(xrf0) =	vadd.scan.msk.s32 $0xffff, v3;
	_ =	sdelay $0x5  }
0x41: {  	v3, _, _ =	vpop (xrf0)  }
0x42: {  	(v2sf) =	vpush v3, $0xF;
	_ =	sdelay $0xe  }
0x43: {  	s11 =	spop (v2sf)  }
0x44: {  	p0 =	sgt.s32 s11, $0x198  }
0x45: {  	s11 =	simm.s32 $0x0;
	v3 =	vpsel !p0, $0x80000000, v0  }
.LBB2_6:
0x46: {  	s13 =	simm.s32 $0x840  }
0x47: {  	s12 =	ssub.s32 $0x1E, s11;
	v6 =	vld [tilespmem:s13+$0xFFFFFFC0]  }
0x48: {  	v4 =	vshll.u32 v1, s12;
	v8 =	vld [tilespmem:s13+$0xFFFFFFD0]  }
0x49: {  	v9 =	vld [tilespmem:s13+$0xFFFFFFE0];
	v4 =	vbroadcast v4, $0x0  }
0x4a: {  	v7 =	vld [tilespmem:s13+$0xFFFFFFF0]  }
0x4b: {  	v5 =	vld [tilespmem:s13+$0x0];
	v4 =	vor.u32 v3, v4  }
0x4c: {  	vm0 =	vge.s32 v6, v4;
	v6 =	vld [tilespmem:s13+$0x10]  }
0x4d: {  	v10 =	vimm.s32 $0x0;
	v11 =	vsel vm0, $0x1, v0;
	vm0 =	vge.s32 v8, v4;
	v8 =	vld [tilespmem:s13+$0x20]  }
0x4e: {  	s12 =	simm.s32 $0x0;
	v10 =	vadd.s32 v11, v10;
	v11 =	vsel vm0, $0x1, v0;
	vm0 =	vge.s32 v9, v4;
	v9 =	vld [tilespmem:s13+$0x30];
	s13 =	simm.s32 $0x8C0  }
.LBB2_7:
0x4f: {  	v12 =	vld [tilespmem:s13+$0xFFFFFFC0];
	s12 =	sadd.s32 $0x8, s12;
	v10 =	vadd.s32 v11, v10;
	v11 =	vsel vm0, $0x1, v0;
	vm0 =	vge.s32 v7, v4  }
0x50: {  	v13 =	vld [tilespmem:s13+$0xFFFFFFD0];
	p0 =	slt.u32 s12, $0x78;
	v7 =	vadd.s32 v11, v10;
	v10 =	vsel vm0, $0x1, v0;
	vm0 =	vge.s32 v5, v4  }
0x51: {  	v14 =	vld [tilespmem:s13+$0xFFFFFFE0];
	v5 =	vadd.s32 v10, v7;
	v10 =	vsel vm0, $0x1, v0;
	vm0 =	vge.s32 v6, v4  }
.Ltmp2:
0x52: {  	v7 =	vld [tilespmem:s13+$0xFFFFFFF0];
	v6 =	vadd.s32 v10, v5;
	v10 =	vsel vm0, $0x1, v0;
	vm0 =	vge.s32 v8, v4;
	(pc) =	sbr.rel @p0 .LBB2_7-.Ltmp2, $4  }
0x53: {  	v5 =	vld [tilespmem:s13+$0x0];
	v8 =	vadd.s32 v10, v6;
	v10 =	vsel vm0, $0x1, v0;
	vm0 =	vge.s32 v9, v4  }
0x54: {  	vm1 =	vge.s32 v12, v4;
	v6 =	vld [tilespmem:s13+$0x10];
	v9 =	vadd.s32 v10, v8;
	v10 =	vsel vm0, $0x1, v0  }
0x55: {  	v11 =	vsel vm1, $0x1, v0;
	vm0 =	vge.s32 v13, v4;
	v8 =	vld [tilespmem:s13+$0x20];
	v9 =	vadd.s32 v10, v9  }
0x56: {  	v10 =	vadd.s32 v11, v9;
	v11 =	vsel vm0, $0x1, v0;
	vm0 =	vge.s32 v14, v4;
	v9 =	vld [tilespmem:s13+$0x30];
	s13 =	sadd.s32 $0x80, s13  }
0x57: {  	v10 =	vadd.s32 v11, v10;
	v58 =	vsel vm0, $0x1, v0;
	vm11 =	vge.s32 v7, v4  }
0x58: {  	v59 =	vadd.s32 v58, v10;
	v60 =	vsel vm11, $0x1, v0;
	vm12 =	vge.s32 v5, v4  }
0x59: {  	v5 =	vadd.s32 v60, v59;
	v61 =	vsel vm12, $0x1, v0;
	vm13 =	vge.s32 v6, v4  }
0x5a: {  	v5 =	vadd.s32 v61, v5;
	v6 =	vsel vm13, $0x1, v0;
	vm14 =	vge.s32 v8, v4  }
0x5b: {  	v5 =	vadd.s32 v6, v5;
	v62 =	vsel vm14, $0x1, v0;
	vm15 =	vge.s32 v9, v4  }
0x5c: {  	v5 =	vadd.s32 v62, v5;
	v63 =	vsel vm15, $0x1, v0  }
0x5d: {  	v5 =	vadd.s32 v63, v5  }
0x5e: {  	(xrf0) =	vadd.scan.msk.s32 $0xffff, v5;
	_ =	sdelay $0x5  }
0x5f: {  	v5, _, _ =	vpop (xrf0)  }
0x60: {  	(v2sf) =	vpush v5, $0xF;
	_ =	sdelay $0xa  }
0x61: {  	s11 =	sadd.s32 $0x1, s11  }
0x62: {  	p1 =	sne.s32 s11, $0x1F  }
.Ltmp3:
0x63: {  	_ = 	snop;
	(pc) =	sbr.rel @p1 .LBB2_6-.Ltmp3, $4  }
0x64: {  	_ = 	snop  }
0x65: {  	s12 =	spop (v2sf)  }
0x66: {  	p0 =	sgt.s32 s12, $0x198  }
0x67: {  	v3 =	vpsel p0, v4, v3  }
0x68: {  	s11 =	simm.s32 $0x1020  }
0x69: {  	[tilespmem:s11+$0xFFFFFFE0] =	vst v0  }
0x6a: {  	[tilespmem:s11+$0x10] =	vst v0  }
0x6b: {  	s12 =	simm.s32 $0x0;
	[tilespmem:s11+$0x0] =	vst v0  }
.LBB2_10:
0x6c: {  	s12 =	sadd.s32 $0x4, s12  }
0x6d: {  	[tilespmem:s11+$0xFFFFFFF0] =	vst v0;
	s11 =	sadd.s32 $0x40, s11;
	p0 =	slt.u32 s12, $0x1C  }
.Ltmp4:
0x6e: {  	[tilespmem:s11+$0xFFFFFFE0] =	vst v0;
	(pc) =	sbr.rel @p0 .LBB2_10-.Ltmp4, $3  }
0x6f: {  	_ =	sdelay $0x1  }
0x70: {  	[tilespmem:s11+$0x10] =	vst v0  }
0x71: {  	[tilespmem:s11+$0x0] =	vst v0  }
0x72: {  	[tilespmem:s11+$0xFFFFFFF0] =	vst v0  }
0x73: {  	s12 =	simm.s32 $0x800;
	[tilespmem:$0x1200] =	vst v0  }
0x74: {  	v4 =	vld [tilespmem:s12+$0x0];
	_ =	sdelay $0x4  }
0x75: {  	vm0 =	vgt.s32 v4, v3  }
0x76: {  	v4 =	vsel vm0, $0x1, v0  }
0x77: {  	(xrf0) =	vadd.scan.msk.s32 $0xffff, v4;
	_ =	sdelay $0x5  }
0x78: {  	s13 =	simm.s32 $0x0;
	v5, _, _ =	vpop (xrf0)  }
0x79: {  	v4 =	vor.u32 s13, v2;
	(v2sf) =	vpush v5, $0xF  }
0x7a: {  	s14 =	simm.s32 $0x810;
	[tilespmem:s13+$0x1000] =	vst.msk vm0, v4  }
0x7b: {  	s11 =	simm.s32 $0x10;
	s16 =	simm.s32 $0x20;
	s15 =	simm.s32 $0x10;
	v5 =	vld [tilespmem:s14+$0x0]  }
.LBB2_12:
0x7c: {  	p0 =	sne.s32 s16, $0x7F0;
	_ =	sdelay $0x3  }
0x7d: {  	vm0 =	vgt.s32 v5, v3  }
0x7e: {  	v5 =	vsel vm0, $0x1, v0  }
0x7f: {  	(xrf0) =	vadd.scan.msk.s32 $0xffff, v5;
	_ =	sdelay $0x4  }
.Ltmp5:
0x80: {  	(pc) =	sbr.rel @p0 .LBB2_12-.Ltmp5, $4  }
0x81: {  	v5, _, _ =	vpop (xrf0);
	s17 =	spop (v2sf)  }
0x82: {  	v6 =	vor.u32 s15, v2;
	s15 =	smov.u32 s16;
	(v2sf) =	vpush v5, $0xF;
	s13 =	sadd.s32 s13, s17  }
0x83: {  	s14 =	sadd.s32 $0x10, s14;
	[tilespmem:s13+$0x1000] =	vst.msk vm0, v6  }
0x84: {  	s16 =	sadd.s32 $0x10, s16;
	v5 =	vld [tilespmem:s14+$0x0]  }
0x85: {  	_ =	sdelay $0x3  }
0x86: {  	vm0 =	vgt.s32 v5, v3  }
0x87: {  	v5 =	vsel vm0, $0x1, v0  }
0x88: {  	(xrf0) =	vadd.scan.msk.s32 $0xffff, v5;
	_ =	sdelay $0x5  }
0x89: {  	v5, _, _ =	vpop (xrf0)  }
0x8a: {  	(v2sf) =	vpush v5, $0xF  }
0x8b: {  	s14 =	spop (v2sf)  }
0x8c: {  	v5 =	vor.u32 s15, v2;
	s13 =	sadd.s32 s13, s14  }
0x8d: {  	[tilespmem:s13+$0x1000] =	vst.msk vm0, v5  }
0x8e: {  	v5 =	vld [tilespmem:s12+$0x0];
	_ =	sdelay $0x4  }
0x8f: {  	vm15 =	veq.s32 v5, v3  }
0x90: {  	v5 =	vsel vm15, $0x1, v0  }
0x91: {  	(xrf0) =	vadd.scan.msk.s32 $0xffff, v5;
	_ =	sdelay $0x3  }
0x92: {  	s31 =	spop (v2sf)  }
0x93: {  	s12 =	sadd.s32 s13, s31  }
0x94: {  	v5, _, _ =	vpop (xrf0);
	s13 =	ssub.s32 $0x199, s12  }
0x95: {  	vm1 =	vle.s32 v5, s13  }
0x96: {  	vm0 =	vmand vm15, vm1  }
0x97: {  	v5 =	vsel vm0, $0x1, v0  }
0x98: {  	(xrf0) =	vadd.scan.msk.s32 $0xffff, v5;
	_ =	sdelay $0x5  }
0x99: {  	[tilespmem:s12+$0x1000] =	vst.msk vm0, v4;
	v4, _, _ =	vpop (xrf0)  }
0x9a: {  	(v2sf) =	vpush v4, $0xF;
	_ =	sdelay $0x2  }
0x9b: {  	s13 =	simm.s32 $0x810  }
0x9c: {  	s14 =	simm.s32 $0x20;
	v4 =	vld [tilespmem:s13+$0x0]  }
.LBB2_14:
0x9d: {  	p0 =	sne.s32 s14, $0x7F0;
	_ =	sdelay $0x3  }
0x9e: {  	vm0 =	veq.s32 v4, v3  }
0x9f: {  	v4 =	vsel vm0, $0x1, v0  }
0xa0: {  	(xrf0) =	vadd.scan.msk.s32 $0xffff, v4;
	_ =	sdelay $0x3  }
0xa1: {  	s15 =	spop (v2sf)  }
0xa2: {  	s12 =	sadd.s32 s12, s15  }
0xa3: {  	s15 =	ssub.s32 $0x199, s12;
	v4, _, _ =	vpop (xrf0)  }
0xa4: {  	vm1 =	vle.s32 v4, s15  }
0xa5: {  	v4 =	vor.u32 s11, v2;
	s11 =	smov.u32 s14;
	vm0 =	vmand vm0, vm1  }
0xa6: {  	[tilespmem:s12+$0x1000] =	vst.msk vm0, v4;
	v4 =	vsel vm0, $0x1, v0  }
0xa7: {  	(xrf0) =	vadd.scan.msk.s32 $0xffff, v4;
	_ =	sdelay $0x5  }
0xa8: {  	v4, _, _ =	vpop (xrf0)  }
.Ltmp6:
0xa9: {  	(v2sf) =	vpush v4, $0xF;
	(pc) =	sbr.rel @p0 .LBB2_14-.Ltmp6, $3  }
0xaa: {  	_ =	sdelay $0x1  }
0xab: {  	s13 =	sadd.s32 $0x10, s13  }
0xac: {  	s14 =	sadd.s32 $0x10, s14;
	v4 =	vld [tilespmem:s13+$0x0]  }
0xad: {  	_ =	sdelay $0x3  }
0xae: {  	vm0 =	veq.s32 v4, v3  }
0xaf: {  	v3 =	vsel vm0, $0x1, v0  }
0xb0: {  	(xrf0) =	vadd.scan.msk.s32 $0xffff, v3;
	_ =	sdelay $0x3  }
0xb1: {  	s13 =	spop (v2sf)  }
0xb2: {  	s12 =	sadd.s32 s12, s13  }
0xb3: {  	s13 =	ssub.s32 $0x199, s12;
	v3, _, _ =	vpop (xrf0)  }
0xb4: {  	vm1 =	vle.s32 v3, s13  }
0xb5: {  	vm0 =	vmand vm0, vm1  }
0xb6: {  	v3 =	vsel vm0, $0x1, v0  }
0xb7: {  	(xrf0) =	vadd.scan.msk.s32 $0xffff, v3;
	_ =	sdelay $0x5  }
0xb8: {  	v3, _, _ =	vpop (xrf0)  }
0xb9: {  	(v2sf) =	vpush v3, $0xF;
	_ =	sdelay $0xa  }
0xba: {  	s10 =	sadd.s32 $0x1, s10;
	v3 =	vor.u32 s11, v2  }
0xbb: {  	p0 =	sne.s32 s10, s5;
	[tilespmem:s12+$0x1000] =	vst.msk vm0, v3  }
0xbc: {  	[hbm4b:s4+s6] =	stream.strided.scatter [tilespmem:s9], [sflag:$0x1], $0x200, s7, s6, $0x38;
	[tilespmem:$0x1280] =	vst v63  }
.Ltmp7:
0xbd: {  	_ = 	snop;
	(pc) =	sbr.rel @p0 .LBB2_1-.Ltmp7, $4  }
0xbe: {  	s31 =	spop (v2sf)  }
0xbf: {  	_ =	swait.ge [sflag:s8], $0x200  }
0xc0: {  	[sflag:s8] =	ssyncset.done $0x0  }
0xc1: {  	[sflag:s8] =	ssyncadd.s32 $0xFFFFFE00  }
0xc2: {  	_ =	sfence.sel $0x180000  }
0xc3: {  	[bflag:$0x0] =	sbarrier.arrive $0xFFFF  }
0xc4: {  	p0 =	sne.s32 s1, $0x0;
	_ =	strace $0x90000047  }
0xc5: {  	s0 =	sadd.s32 @!p0 $0x100000, s0;
	[bflag:$0x2] =	sbarrier.arrive $0xFFFF  }
0xc6: {  	[sflag:s0] =	ssyncadd.tile.s32 @!p0 $0x1;
	_ =	shalt  }
.Lfunc_end2:
_tile_overlayer_lowered:
.L_overlay_start_2:
0xc7: {  	(tag) =	ssettag $0x2  }
0xc8: {  	s0 =	rddreg [dreg:$0x0];
	s2 =	stileid.u32  }
0xc9: {  	s1 =	rddreg [dreg:$0x1];
	p0 =	sne.s32 s2, $0x0  }
0xca: {  	s3 =	rddreg [dreg:$0x2];
	[bflag:$0x3] =	sbarrier.arrive $0xFFFF;
	s2 =	simm.s32 @!p0 $0x1C01  }
0xcb: {  	[timem:s3], [sflag:s2] =	dma.local @!p0 [hbm:s0], s1  }
0xcc: {  	s0 =	simm.s32 @!p0 $0x1  }
0xcd: {  	_ =	swait.ge @!p0 [sflag:s0], s1  }
0xce: {  	s1 =	ssub.s32 @!p0 $0x0, s1;
	[sflag:s0] =	ssyncset.done @!p0 $0x0  }
0xcf: {  	[sflag:s0] =	ssyncadd.s32 @!p0 s1  }
0xd0: {  	[bflag:$0x3] =	sbarrier.arrive $0xFFFF  }
0xd1: {  	_ =	shalt  }

</sc_bundles>
